<compile_context>
chip_gen: v7x
topology: tpu7x:2x2x1
jax: 0.10.2.dev20260603
libtpu: 0.0.44.dev20260713+nightly
codegen_flags: <defaults>
</compile_context>

<pallas_src>
import functools

import jax
import jax.numpy as jnp
from jax import lax
from jax.experimental import pallas as pl
from jax.experimental.pallas import tpu as pltpu
from jax.experimental.pallas import tpu_sc as plsc

BATCH = 16384
HIDDEN = 256
EMBED = 128

_INFO = plsc.get_sparse_core_info()
_NC = _INFO.num_cores
_NS = _INFO.num_subcores
_NW = _NC * _NS
_BPW = BATCH // _NW
_CH = 64
_NCH = _BPW // _CH
_NBUF = 6


def _make_sc_gather():
  mesh = plsc.VectorSubcoreMesh(core_axis_name="c", subcore_axis_name="s")

  @functools.partial(
      pl.kernel,
      mesh=mesh,
      out_type=jax.ShapeDtypeStruct((BATCH, HIDDEN), jnp.float32),
      scratch_types=[pltpu.VMEM((_NCH, _CH), jnp.int32)]
      + [pltpu.VMEM((_CH, HIDDEN), jnp.float32) for _ in range(_NBUF)]
      + [pltpu.SemaphoreType.DMA, pltpu.SemaphoreType.DMA],
  )
  def gather(table_hbm, idx_hbm, out_hbm, idx_v, *rest):
    bufs = rest[:_NBUF]
    sem_in, sem_out = rest[_NBUF], rest[_NBUF + 1]
    wid = lax.axis_index("s") * _NC + lax.axis_index("c")
    base = wid * _BPW
    pltpu.sync_copy(idx_hbm.at[wid], idx_v)
    in_flight = [None] * _NCH
    out_flight = [None] * _NCH
    for c in range(min(_NBUF, _NCH)):
      in_flight[c] = pltpu.async_copy(table_hbm.at[idx_v.at[c]],
                                      bufs[c % _NBUF], sem_in)
    for c in range(_NCH):
      in_flight[c].wait()
      out_flight[c] = pltpu.async_copy(
          bufs[c % _NBUF], out_hbm.at[pl.ds(base + c * _CH, _CH)], sem_out)
      nc = c + _NBUF
      if nc < _NCH:
        out_flight[nc - _NBUF].wait()
        in_flight[nc] = pltpu.async_copy(table_hbm.at[idx_v.at[nc]],
                                         bufs[nc % _NBUF], sem_in)
    for c in range(max(0, _NCH - _NBUF), _NCH):
      out_flight[c].wait()

  return gather


_sc_gather = _make_sc_gather()


def _proj_body(x_ref, w_ref, b_ref, o_ref):
  o_ref[...] = (
      lax.dot_general(x_ref[...], w_ref[...], (((1,), (1,)), ((), ())),
                      preferred_element_type=jnp.float32)
      + b_ref[...]
  )


def _tc_proj(rows, W, b2):
  blk = 8192
  grid = BATCH // blk
  return pl.pallas_call(
      _proj_body,
      grid=(grid,),
      in_specs=[
          pl.BlockSpec((blk, HIDDEN), lambda i: (i, 0)),
          pl.BlockSpec((EMBED, HIDDEN), lambda i: (0, 0)),
          pl.BlockSpec((1, EMBED), lambda i: (0, 0)),
      ],
      out_specs=pl.BlockSpec((blk, EMBED), lambda i: (i, 0)),
      out_shape=jax.ShapeDtypeStruct((BATCH, EMBED), jnp.float32),
      compiler_params=pltpu.CompilerParams(
          dimension_semantics=("parallel",)),
  )(rows, W, b2)


def kernel(t, pos_enc, W, b):
  idx = t.reshape(_NW, _NCH, _CH)
  rows = _sc_gather(pos_enc, idx)
  return _tc_proj(rows, W, b.reshape(1, EMBED))

# --- scband reference (transcript-rebuilt; emitter-appended) ---
"""Pipeline reference for scband-timestep-encoder-16303695855850 (READ-ONLY COPY).

The authoritative reference and input builder live on the scoring server;
editing this copy changes nothing except your own understanding.
"""

import jax, jax.numpy as jnp
import numpy as np
import math

MAX_TIME = 100000
HIDDEN_DIM = 256
EMBED_DIM = 128
BATCH = 16384


def _make_pos_enc(max_time, hidden_dim):
    position = jnp.arange(max_time, dtype=jnp.float32)[:, None]
    div_term = jnp.exp(jnp.arange(0, hidden_dim, 2, dtype=jnp.float32) * -(math.log(10000.0) / hidden_dim))
    pos_enc = jnp.zeros((max_time, hidden_dim), dtype=jnp.float32)
    pos_enc = pos_enc.at[:, 0::2].set(jnp.sin(position * div_term))
    pos_enc = pos_enc.at[:, 1::2].set(jnp.cos(position * div_term))
    return pos_enc


def setup_inputs(seed: int = 0) -> dict:
    key = jax.random.key(seed)
    k1, k2, k3 = jax.random.split(key, 3)
    pos_enc = _make_pos_enc(MAX_TIME, HIDDEN_DIM)
    bound = 1.0 / math.sqrt(HIDDEN_DIM)
    W = jax.random.uniform(k1, (EMBED_DIM, HIDDEN_DIM), dtype=jnp.float32, minval=-bound, maxval=bound)
    b = jax.random.uniform(k2, (EMBED_DIM,), dtype=jnp.float32, minval=-bound, maxval=bound)
    t = jax.random.randint(k3, (BATCH,), 0, MAX_TIME, dtype=jnp.int32)
    return {"t": t, "pos_enc": pos_enc, "W": W, "b": b}


def reference(t, pos_enc, W, b):
    # time_embed = self.pos_enc[t, :]  (gather / embedding lookup)
    time_embed = jnp.take(pos_enc, t, axis=0)
    # self.proj(time_embed) = time_embed @ W.T + b
    return time_embed @ W.T + b

if __name__ == "__main__":
    import jax
    _d = setup_inputs()
    print(jax.jit(kernel)(*tuple(_d.values())))

</pallas_src>

<mosaic_0001>
#map = affine_map<(d0, d1) -> (0, 0)>
#map1 = affine_map<(d0, d1) -> (0, 0, 0)>
module attributes {stable_mosaic.version = 14 : i64} {
  func.func @gather(%arg0: i32, %arg1: i32, %arg2: memref<100000x256xf32, #tpu.memory_space<hbm>>, %arg3: memref<32x8x64xi32, #tpu.memory_space<hbm>>, %arg4: memref<16384x256xf32, #tpu.memory_space<hbm>>, %arg5: memref<8x64xi32, #tpu.memory_space<vmem>>, %arg6: memref<64x256xf32, #tpu.memory_space<vmem>>, %arg7: memref<64x256xf32, #tpu.memory_space<vmem>>, %arg8: memref<64x256xf32, #tpu.memory_space<vmem>>, %arg9: memref<64x256xf32, #tpu.memory_space<vmem>>, %arg10: memref<64x256xf32, #tpu.memory_space<vmem>>, %arg11: memref<64x256xf32, #tpu.memory_space<vmem>>, %arg12: memref<!tpu.dma_semaphore, #tpu.memory_space<semaphore_mem>>, %arg13: memref<!tpu.dma_semaphore, #tpu.memory_space<semaphore_mem>>) attributes {dimension_semantics = [#tpu.dimension_semantics<core_parallel>, #tpu.dimension_semantics<subcore_parallel>], iteration_bounds = array<i64: 2, 16>, scalar_prefetch = 0 : i64, scratch_operands = 9 : i64, tpu.core_type = #tpu.core_type<sc_vector_subcore>, window_params = [{transform_indices = #map}, {transform_indices = #map1}, {transform_indices = #map}]} {
    %mul3A = arith.constant 2 : i32
    %mul3A_0 = arith.muli %arg1, %mul3A : i32
    %add3A = arith.addi %mul3A_0, %arg0 : i32
    %mul3A_1 = arith.constant 512 : i32
    %mul3A_2 = arith.muli %add3A, %mul3A_1 : i32
    "tpu.region"() ({
      %run_scoped3A = tpu.sem_alloc : memref<!tpu.dma_semaphore, #tpu.memory_space<semaphore_mem>>
      %dma_start3A_193 = arith.constant 0 : i32
      %dma_start3A_194 = arith.constant 0 : i32
      %dma_start3A_195 = tpu.memref_slice %arg3[%add3A, %dma_start3A_193, %dma_start3A_194] : memref<32x8x64xi32, #tpu.memory_space<hbm>> -> memref<1x8x64xi32, #tpu.memory_space<hbm>>
      %dma_start3A_196 = tpu.memref_squeeze %dma_start3A_195 : memref<1x8x64xi32, #tpu.memory_space<hbm>> -> memref<8x64xi32, #tpu.memory_space<hbm>>
      %dma_start3A_197 = arith.constant 0 : i32
      %dma_start3A_198 = arith.constant 0 : i32
      %dma_start3A_199 = tpu.memref_slice %arg3[%add3A, %dma_start3A_197, %dma_start3A_198] : memref<32x8x64xi32, #tpu.memory_space<hbm>> -> memref<1x8x64xi32, #tpu.memory_space<hbm>>
      %dma_start3A_200 = tpu.memref_squeeze %dma_start3A_199 : memref<1x8x64xi32, #tpu.memory_space<hbm>> -> memref<8x64xi32, #tpu.memory_space<hbm>>
      tpu.enqueue_dma source(%dma_start3A_200 : memref<8x64xi32, #tpu.memory_space<hbm>>) target(%arg5 : memref<8x64xi32, #tpu.memory_space<vmem>>) target_semaphore(%run_scoped3A : memref<!tpu.dma_semaphore, #tpu.memory_space<semaphore_mem>>)
      %dma_wait3A_201 = arith.constant 0 : i32
      %dma_wait3A_202 = arith.constant 0 : i32
      %dma_wait3A_203 = tpu.memref_slice %arg3[%add3A, %dma_wait3A_201, %dma_wait3A_202] : memref<32x8x64xi32, #tpu.memory_space<hbm>> -> memref<1x8x64xi32, #tpu.memory_space<hbm>>
      %dma_wait3A_204 = tpu.memref_squeeze %dma_wait3A_203 : memref<1x8x64xi32, #tpu.memory_space<hbm>> -> memref<8x64xi32, #tpu.memory_space<hbm>>
      %dma_wait3A_205 = arith.constant 0 : i32
      %dma_wait3A_206 = arith.constant 0 : i32
      %dma_wait3A_207 = tpu.memref_slice %arg3[%add3A, %dma_wait3A_205, %dma_wait3A_206] : memref<32x8x64xi32, #tpu.memory_space<hbm>> -> memref<1x8x64xi32, #tpu.memory_space<hbm>>
      %dma_wait3A_208 = tpu.memref_squeeze %dma_wait3A_207 : memref<1x8x64xi32, #tpu.memory_space<hbm>> -> memref<8x64xi32, #tpu.memory_space<hbm>>
      tpu.wait_dma2 semaphore(%run_scoped3A : memref<!tpu.dma_semaphore, #tpu.memory_space<semaphore_mem>>) src(%dma_wait3A_208 : memref<8x64xi32, #tpu.memory_space<hbm>>) dst(%arg5 : memref<8x64xi32, #tpu.memory_space<vmem>>)
      tpu.yield
    }) : () -> ()
    %dma_start3A = arith.constant 0 : i32
    %dma_start3A_3 = arith.constant 0 : i32
    %dma_start3A_4 = tpu.memref_slice %arg5[%dma_start3A, %dma_start3A_3] : memref<8x64xi32, #tpu.memory_space<vmem>> -> memref<1x64xi32, #tpu.memory_space<vmem>>
    %dma_start3A_5 = tpu.memref_squeeze %dma_start3A_4 : memref<1x64xi32, #tpu.memory_space<vmem>> -> memref<64xi32, #tpu.memory_space<vmem>>
    %dma_start3A_6 = arith.constant 0 : i32
    %dma_start3A_7 = arith.constant 0 : i32
    %dma_start3A_8 = tpu.memref_slice %arg2[%dma_start3A_6, %dma_start3A_7] : memref<100000x256xf32, #tpu.memory_space<hbm>> -> memref<100000x256xf32, #tpu.memory_space<hbm>>
    tpu.enqueue_indirect_dma source(%dma_start3A_8 : memref<100000x256xf32, #tpu.memory_space<hbm>>) target(%arg6 : memref<64x256xf32, #tpu.memory_space<vmem>>) offsets(%dma_start3A_5 : memref<64xi32, #tpu.memory_space<vmem>>) semaphore(%arg12 : memref<!tpu.dma_semaphore, #tpu.memory_space<semaphore_mem>>)
    %dma_start3A_9 = arith.constant 1 : i32
    %dma_start3A_10 = arith.constant 0 : i32
    %dma_start3A_11 = tpu.memref_slice %arg5[%dma_start3A_9, %dma_start3A_10] : memref<8x64xi32, #tpu.memory_space<vmem>> -> memref<1x64xi32, #tpu.memory_space<vmem>>
    %dma_start3A_12 = tpu.memref_squeeze %dma_start3A_11 : memref<1x64xi32, #tpu.memory_space<vmem>> -> memref<64xi32, #tpu.memory_space<vmem>>
    %dma_start3A_13 = arith.constant 0 : i32
    %dma_start3A_14 = arith.constant 0 : i32
    %dma_start3A_15 = tpu.memref_slice %arg2[%dma_start3A_13, %dma_start3A_14] : memref<100000x256xf32, #tpu.memory_space<hbm>> -> memref<100000x256xf32, #tpu.memory_space<hbm>>
    tpu.enqueue_indirect_dma source(%dma_start3A_15 : memref<100000x256xf32, #tpu.memory_space<hbm>>) target(%arg7 : memref<64x256xf32, #tpu.memory_space<vmem>>) offsets(%dma_start3A_12 : memref<64xi32, #tpu.memory_space<vmem>>) semaphore(%arg12 : memref<!tpu.dma_semaphore, #tpu.memory_space<semaphore_mem>>)
    %dma_start3A_16 = arith.constant 2 : i32
    %dma_start3A_17 = arith.constant 0 : i32
    %dma_start3A_18 = tpu.memref_slice %arg5[%dma_start3A_16, %dma_start3A_17] : memref<8x64xi32, #tpu.memory_space<vmem>> -> memref<1x64xi32, #tpu.memory_space<vmem>>
    %dma_start3A_19 = tpu.memref_squeeze %dma_start3A_18 : memref<1x64xi32, #tpu.memory_space<vmem>> -> memref<64xi32, #tpu.memory_space<vmem>>
    %dma_start3A_20 = arith.constant 0 : i32
    %dma_start3A_21 = arith.constant 0 : i32
    %dma_start3A_22 = tpu.memref_slice %arg2[%dma_start3A_20, %dma_start3A_21] : memref<100000x256xf32, #tpu.memory_space<hbm>> -> memref<100000x256xf32, #tpu.memory_space<hbm>>
    tpu.enqueue_indirect_dma source(%dma_start3A_22 : memref<100000x256xf32, #tpu.memory_space<hbm>>) target(%arg8 : memref<64x256xf32, #tpu.memory_space<vmem>>) offsets(%dma_start3A_19 : memref<64xi32, #tpu.memory_space<vmem>>) semaphore(%arg12 : memref<!tpu.dma_semaphore, #tpu.memory_space<semaphore_mem>>)
    %dma_start3A_23 = arith.constant 3 : i32
    %dma_start3A_24 = arith.constant 0 : i32
    %dma_start3A_25 = tpu.memref_slice %arg5[%dma_start3A_23, %dma_start3A_24] : memref<8x64xi32, #tpu.memory_space<vmem>> -> memref<1x64xi32, #tpu.memory_space<vmem>>
    %dma_start3A_26 = tpu.memref_squeeze %dma_start3A_25 : memref<1x64xi32, #tpu.memory_space<vmem>> -> memref<64xi32, #tpu.memory_space<vmem>>
    %dma_start3A_27 = arith.constant 0 : i32
    %dma_start3A_28 = arith.constant 0 : i32
    %dma_start3A_29 = tpu.memref_slice %arg2[%dma_start3A_27, %dma_start3A_28] : memref<100000x256xf32, #tpu.memory_space<hbm>> -> memref<100000x256xf32, #tpu.memory_space<hbm>>
    tpu.enqueue_indirect_dma source(%dma_start3A_29 : memref<100000x256xf32, #tpu.memory_space<hbm>>) target(%arg9 : memref<64x256xf32, #tpu.memory_space<vmem>>) offsets(%dma_start3A_26 : memref<64xi32, #tpu.memory_space<vmem>>) semaphore(%arg12 : memref<!tpu.dma_semaphore, #tpu.memory_space<semaphore_mem>>)
    %dma_start3A_30 = arith.constant 4 : i32
    %dma_start3A_31 = arith.constant 0 : i32
    %dma_start3A_32 = tpu.memref_slice %arg5[%dma_start3A_30, %dma_start3A_31] : memref<8x64xi32, #tpu.memory_space<vmem>> -> memref<1x64xi32, #tpu.memory_space<vmem>>
    %dma_start3A_33 = tpu.memref_squeeze %dma_start3A_32 : memref<1x64xi32, #tpu.memory_space<vmem>> -> memref<64xi32, #tpu.memory_space<vmem>>
    %dma_start3A_34 = arith.constant 0 : i32
    %dma_start3A_35 = arith.constant 0 : i32
    %dma_start3A_36 = tpu.memref_slice %arg2[%dma_start3A_34, %dma_start3A_35] : memref<100000x256xf32, #tpu.memory_space<hbm>> -> memref<100000x256xf32, #tpu.memory_space<hbm>>
    tpu.enqueue_indirect_dma source(%dma_start3A_36 : memref<100000x256xf32, #tpu.memory_space<hbm>>) target(%arg10 : memref<64x256xf32, #tpu.memory_space<vmem>>) offsets(%dma_start3A_33 : memref<64xi32, #tpu.memory_space<vmem>>) semaphore(%arg12 : memref<!tpu.dma_semaphore, #tpu.memory_space<semaphore_mem>>)
    %dma_start3A_37 = arith.constant 5 : i32
    %dma_start3A_38 = arith.constant 0 : i32
    %dma_start3A_39 = tpu.memref_slice %arg5[%dma_start3A_37, %dma_start3A_38] : memref<8x64xi32, #tpu.memory_space<vmem>> -> memref<1x64xi32, #tpu.memory_space<vmem>>
    %dma_start3A_40 = tpu.memref_squeeze %dma_start3A_39 : memref<1x64xi32, #tpu.memory_space<vmem>> -> memref<64xi32, #tpu.memory_space<vmem>>
    %dma_start3A_41 = arith.constant 0 : i32
    %dma_start3A_42 = arith.constant 0 : i32
    %dma_start3A_43 = tpu.memref_slice %arg2[%dma_start3A_41, %dma_start3A_42] : memref<100000x256xf32, #tpu.memory_space<hbm>> -> memref<100000x256xf32, #tpu.memory_space<hbm>>
    tpu.enqueue_indirect_dma source(%dma_start3A_43 : memref<100000x256xf32, #tpu.memory_space<hbm>>) target(%arg11 : memref<64x256xf32, #tpu.memory_space<vmem>>) offsets(%dma_start3A_40 : memref<64xi32, #tpu.memory_space<vmem>>) semaphore(%arg12 : memref<!tpu.dma_semaphore, #tpu.memory_space<semaphore_mem>>)
    %dma_wait3A = arith.constant 0 : i32
    %dma_wait3A_44 = arith.constant 0 : i32
    %dma_wait3A_45 = tpu.memref_slice %arg5[%dma_wait3A, %dma_wait3A_44] : memref<8x64xi32, #tpu.memory_space<vmem>> -> memref<1x64xi32, #tpu.memory_space<vmem>>
    %dma_wait3A_46 = tpu.memref_squeeze %dma_wait3A_45 : memref<1x64xi32, #tpu.memory_space<vmem>> -> memref<64xi32, #tpu.memory_space<vmem>>
    %dma_wait3A_47 = arith.constant 0 : i32
    %dma_wait3A_48 = arith.constant 0 : i32
    %dma_wait3A_49 = tpu.memref_slice %arg2[%dma_wait3A_47, %dma_wait3A_48] : memref<100000x256xf32, #tpu.memory_space<hbm>> -> memref<100000x256xf32, #tpu.memory_space<hbm>>
    tpu.wait_indirect_dma semaphore(%arg12 : memref<!tpu.dma_semaphore, #tpu.memory_space<semaphore_mem>>) src(%dma_wait3A_49 : memref<100000x256xf32, #tpu.memory_space<hbm>>) dst(%arg6 : memref<64x256xf32, #tpu.memory_space<vmem>>)
    %add3A_50 = arith.constant 0 : i32
    %add3A_51 = arith.addi %mul3A_2, %add3A_50 : i32
    %dma_start3A_52 = arith.constant 0 : i32
    %dma_start3A_53 = tpu.memref_slice %arg4[%add3A_51, %dma_start3A_52] : memref<16384x256xf32, #tpu.memory_space<hbm>> -> memref<64x256xf32, #tpu.memory_space<hbm>>
    %dma_start3A_54 = arith.constant 0 : i32
    %dma_start3A_55 = tpu.memref_slice %arg4[%add3A_51, %dma_start3A_54] : memref<16384x256xf32, #tpu.memory_space<hbm>> -> memref<64x256xf32, #tpu.memory_space<hbm>>
    tpu.enqueue_dma source(%arg6 : memref<64x256xf32, #tpu.memory_space<vmem>>) target(%dma_start3A_55 : memref<64x256xf32, #tpu.memory_space<hbm>>) target_semaphore(%arg13 : memref<!tpu.dma_semaphore, #tpu.memory_space<semaphore_mem>>)
    %dma_wait3A_56 = arith.constant 0 : i32
    %dma_wait3A_57 = tpu.memref_slice %arg4[%add3A_51, %dma_wait3A_56] : memref<16384x256xf32, #tpu.memory_space<hbm>> -> memref<64x256xf32, #tpu.memory_space<hbm>>
    %dma_wait3A_58 = arith.constant 0 : i32
    %dma_wait3A_59 = tpu.memref_slice %arg4[%add3A_51, %dma_wait3A_58] : memref<16384x256xf32, #tpu.memory_space<hbm>> -> memref<64x256xf32, #tpu.memory_space<hbm>>
    tpu.wait_dma2 semaphore(%arg13 : memref<!tpu.dma_semaphore, #tpu.memory_space<semaphore_mem>>) src(%arg6 : memref<64x256xf32, #tpu.memory_space<vmem>>) dst(%dma_wait3A_59 : memref<64x256xf32, #tpu.memory_space<hbm>>)
    %dma_start3A_60 = arith.constant 6 : i32
    %dma_start3A_61 = arith.constant 0 : i32
    %dma_start3A_62 = tpu.memref_slice %arg5[%dma_start3A_60, %dma_start3A_61] : memref<8x64xi32, #tpu.memory_space<vmem>> -> memref<1x64xi32, #tpu.memory_space<vmem>>
    %dma_start3A_63 = tpu.memref_squeeze %dma_start3A_62 : memref<1x64xi32, #tpu.memory_space<vmem>> -> memref<64xi32, #tpu.memory_space<vmem>>
    %dma_start3A_64 = arith.constant 0 : i32
    %dma_start3A_65 = arith.constant 0 : i32
    %dma_start3A_66 = tpu.memref_slice %arg2[%dma_start3A_64, %dma_start3A_65] : memref<100000x256xf32, #tpu.memory_space<hbm>> -> memref<100000x256xf32, #tpu.memory_space<hbm>>
    tpu.enqueue_indirect_dma source(%dma_start3A_66 : memref<100000x256xf32, #tpu.memory_space<hbm>>) target(%arg6 : memref<64x256xf32, #tpu.memory_space<vmem>>) offsets(%dma_start3A_63 : memref<64xi32, #tpu.memory_space<vmem>>) semaphore(%arg12 : memref<!tpu.dma_semaphore, #tpu.memory_space<semaphore_mem>>)
    %dma_wait3A_67 = arith.constant 1 : i32
    %dma_wait3A_68 = arith.constant 0 : i32
    %dma_wait3A_69 = tpu.memref_slice %arg5[%dma_wait3A_67, %dma_wait3A_68] : memref<8x64xi32, #tpu.memory_space<vmem>> -> memref<1x64xi32, #tpu.memory_space<vmem>>
    %dma_wait3A_70 = tpu.memref_squeeze %dma_wait3A_69 : memref<1x64xi32, #tpu.memory_space<vmem>> -> memref<64xi32, #tpu.memory_space<vmem>>
    %dma_wait3A_71 = arith.constant 0 : i32
    %dma_wait3A_72 = arith.constant 0 : i32
    %dma_wait3A_73 = tpu.memref_slice %arg2[%dma_wait3A_71, %dma_wait3A_72] : memref<100000x256xf32, #tpu.memory_space<hbm>> -> memref<100000x256xf32, #tpu.memory_space<hbm>>
    tpu.wait_indirect_dma semaphore(%arg12 : memref<!tpu.dma_semaphore, #tpu.memory_space<semaphore_mem>>) src(%dma_wait3A_73 : memref<100000x256xf32, #tpu.memory_space<hbm>>) dst(%arg7 : memref<64x256xf32, #tpu.memory_space<vmem>>)
    %add3A_74 = arith.constant 64 : i32
    %add3A_75 = arith.addi %mul3A_2, %add3A_74 : i32
    %dma_start3A_76 = arith.constant 0 : i32
    %dma_start3A_77 = tpu.memref_slice %arg4[%add3A_75, %dma_start3A_76] : memref<16384x256xf32, #tpu.memory_space<hbm>> -> memref<64x256xf32, #tpu.memory_space<hbm>>
    %dma_start3A_78 = arith.constant 0 : i32
    %dma_start3A_79 = tpu.memref_slice %arg4[%add3A_75, %dma_start3A_78] : memref<16384x256xf32, #tpu.memory_space<hbm>> -> memref<64x256xf32, #tpu.memory_space<hbm>>
    tpu.enqueue_dma source(%arg7 : memref<64x256xf32, #tpu.memory_space<vmem>>) target(%dma_start3A_79 : memref<64x256xf32, #tpu.memory_space<hbm>>) target_semaphore(%arg13 : memref<!tpu.dma_semaphore, #tpu.memory_space<semaphore_mem>>)
    %dma_wait3A_80 = arith.constant 0 : i32
    %dma_wait3A_81 = tpu.memref_slice %arg4[%add3A_75, %dma_wait3A_80] : memref<16384x256xf32, #tpu.memory_space<hbm>> -> memref<64x256xf32, #tpu.memory_space<hbm>>
    %dma_wait3A_82 = arith.constant 0 : i32
    %dma_wait3A_83 = tpu.memref_slice %arg4[%add3A_75, %dma_wait3A_82] : memref<16384x256xf32, #tpu.memory_space<hbm>> -> memref<64x256xf32, #tpu.memory_space<hbm>>
    tpu.wait_dma2 semaphore(%arg13 : memref<!tpu.dma_semaphore, #tpu.memory_space<semaphore_mem>>) src(%arg7 : memref<64x256xf32, #tpu.memory_space<vmem>>) dst(%dma_wait3A_83 : memref<64x256xf32, #tpu.memory_space<hbm>>)
    %dma_start3A_84 = arith.constant 7 : i32
    %dma_start3A_85 = arith.constant 0 : i32
    %dma_start3A_86 = tpu.memref_slice %arg5[%dma_start3A_84, %dma_start3A_85] : memref<8x64xi32, #tpu.memory_space<vmem>> -> memref<1x64xi32, #tpu.memory_space<vmem>>
    %dma_start3A_87 = tpu.memref_squeeze %dma_start3A_86 : memref<1x64xi32, #tpu.memory_space<vmem>> -> memref<64xi32, #tpu.memory_space<vmem>>
    %dma_start3A_88 = arith.constant 0 : i32
    %dma_start3A_89 = arith.constant 0 : i32
    %dma_start3A_90 = tpu.memref_slice %arg2[%dma_start3A_88, %dma_start3A_89] : memref<100000x256xf32, #tpu.memory_space<hbm>> -> memref<100000x256xf32, #tpu.memory_space<hbm>>
    tpu.enqueue_indirect_dma source(%dma_start3A_90 : memref<100000x256xf32, #tpu.memory_space<hbm>>) target(%arg7 : memref<64x256xf32, #tpu.memory_space<vmem>>) offsets(%dma_start3A_87 : memref<64xi32, #tpu.memory_space<vmem>>) semaphore(%arg12 : memref<!tpu.dma_semaphore, #tpu.memory_space<semaphore_mem>>)
    %dma_wait3A_91 = arith.constant 2 : i32
    %dma_wait3A_92 = arith.constant 0 : i32
    %dma_wait3A_93 = tpu.memref_slice %arg5[%dma_wait3A_91, %dma_wait3A_92] : memref<8x64xi32, #tpu.memory_space<vmem>> -> memref<1x64xi32, #tpu.memory_space<vmem>>
    %dma_wait3A_94 = tpu.memref_squeeze %dma_wait3A_93 : memref<1x64xi32, #tpu.memory_space<vmem>> -> memref<64xi32, #tpu.memory_space<vmem>>
    %dma_wait3A_95 = arith.constant 0 : i32
    %dma_wait3A_96 = arith.constant 0 : i32
    %dma_wait3A_97 = tpu.memref_slice %arg2[%dma_wait3A_95, %dma_wait3A_96] : memref<100000x256xf32, #tpu.memory_space<hbm>> -> memref<100000x256xf32, #tpu.memory_space<hbm>>
    tpu.wait_indirect_dma semaphore(%arg12 : memref<!tpu.dma_semaphore, #tpu.memory_space<semaphore_mem>>) src(%dma_wait3A_97 : memref<100000x256xf32, #tpu.memory_space<hbm>>) dst(%arg8 : memref<64x256xf32, #tpu.memory_space<vmem>>)
    %add3A_98 = arith.constant 128 : i32
    %add3A_99 = arith.addi %mul3A_2, %add3A_98 : i32
    %dma_start3A_100 = arith.constant 0 : i32
    %dma_start3A_101 = tpu.memref_slice %arg4[%add3A_99, %dma_start3A_100] : memref<16384x256xf32, #tpu.memory_space<hbm>> -> memref<64x256xf32, #tpu.memory_space<hbm>>
    %dma_start3A_102 = arith.constant 0 : i32
    %dma_start3A_103 = tpu.memref_slice %arg4[%add3A_99, %dma_start3A_102] : memref<16384x256xf32, #tpu.memory_space<hbm>> -> memref<64x256xf32, #tpu.memory_space<hbm>>
    tpu.enqueue_dma source(%arg8 : memref<64x256xf32, #tpu.memory_space<vmem>>) target(%dma_start3A_103 : memref<64x256xf32, #tpu.memory_space<hbm>>) target_semaphore(%arg13 : memref<!tpu.dma_semaphore, #tpu.memory_space<semaphore_mem>>)
    %dma_wait3A_104 = arith.constant 3 : i32
    %dma_wait3A_105 = arith.constant 0 : i32
    %dma_wait3A_106 = tpu.memref_slice %arg5[%dma_wait3A_104, %dma_wait3A_105] : memref<8x64xi32, #tpu.memory_space<vmem>> -> memref<1x64xi32, #tpu.memory_space<vmem>>
    %dma_wait3A_107 = tpu.memref_squeeze %dma_wait3A_106 : memref<1x64xi32, #tpu.memory_space<vmem>> -> memref<64xi32, #tpu.memory_space<vmem>>
    %dma_wait3A_108 = arith.constant 0 : i32
    %dma_wait3A_109 = arith.constant 0 : i32
    %dma_wait3A_110 = tpu.memref_slice %arg2[%dma_wait3A_108, %dma_wait3A_109] : memref<100000x256xf32, #tpu.memory_space<hbm>> -> memref<100000x256xf32, #tpu.memory_space<hbm>>
    tpu.wait_indirect_dma semaphore(%arg12 : memref<!tpu.dma_semaphore, #tpu.memory_space<semaphore_mem>>) src(%dma_wait3A_110 : memref<100000x256xf32, #tpu.memory_space<hbm>>) dst(%arg9 : memref<64x256xf32, #tpu.memory_space<vmem>>)
    %add3A_111 = arith.constant 192 : i32
    %add3A_112 = arith.addi %mul3A_2, %add3A_111 : i32
    %dma_start3A_113 = arith.constant 0 : i32
    %dma_start3A_114 = tpu.memref_slice %arg4[%add3A_112, %dma_start3A_113] : memref<16384x256xf32, #tpu.memory_space<hbm>> -> memref<64x256xf32, #tpu.memory_space<hbm>>
    %dma_start3A_115 = arith.constant 0 : i32
    %dma_start3A_116 = tpu.memref_slice %arg4[%add3A_112, %dma_start3A_115] : memref<16384x256xf32, #tpu.memory_space<hbm>> -> memref<64x256xf32, #tpu.memory_space<hbm>>
    tpu.enqueue_dma source(%arg9 : memref<64x256xf32, #tpu.memory_space<vmem>>) target(%dma_start3A_116 : memref<64x256xf32, #tpu.memory_space<hbm>>) target_semaphore(%arg13 : memref<!tpu.dma_semaphore, #tpu.memory_space<semaphore_mem>>)
    %dma_wait3A_117 = arith.constant 4 : i32
    %dma_wait3A_118 = arith.constant 0 : i32
    %dma_wait3A_119 = tpu.memref_slice %arg5[%dma_wait3A_117, %dma_wait3A_118] : memref<8x64xi32, #tpu.memory_space<vmem>> -> memref<1x64xi32, #tpu.memory_space<vmem>>
    %dma_wait3A_120 = tpu.memref_squeeze %dma_wait3A_119 : memref<1x64xi32, #tpu.memory_space<vmem>> -> memref<64xi32, #tpu.memory_space<vmem>>
    %dma_wait3A_121 = arith.constant 0 : i32
    %dma_wait3A_122 = arith.constant 0 : i32
    %dma_wait3A_123 = tpu.memref_slice %arg2[%dma_wait3A_121, %dma_wait3A_122] : memref<100000x256xf32, #tpu.memory_space<hbm>> -> memref<100000x256xf32, #tpu.memory_space<hbm>>
    tpu.wait_indirect_dma semaphore(%arg12 : memref<!tpu.dma_semaphore, #tpu.memory_space<semaphore_mem>>) src(%dma_wait3A_123 : memref<100000x256xf32, #tpu.memory_space<hbm>>) dst(%arg10 : memref<64x256xf32, #tpu.memory_space<vmem>>)
    %add3A_124 = arith.constant 256 : i32
    %add3A_125 = arith.addi %mul3A_2, %add3A_124 : i32
    %dma_start3A_126 = arith.constant 0 : i32
    %dma_start3A_127 = tpu.memref_slice %arg4[%add3A_125, %dma_start3A_126] : memref<16384x256xf32, #tpu.memory_space<hbm>> -> memref<64x256xf32, #tpu.memory_space<hbm>>
    %dma_start3A_128 = arith.constant 0 : i32
    %dma_start3A_129 = tpu.memref_slice %arg4[%add3A_125, %dma_start3A_128] : memref<16384x256xf32, #tpu.memory_space<hbm>> -> memref<64x256xf32, #tpu.memory_space<hbm>>
    tpu.enqueue_dma source(%arg10 : memref<64x256xf32, #tpu.memory_space<vmem>>) target(%dma_start3A_129 : memref<64x256xf32, #tpu.memory_space<hbm>>) target_semaphore(%arg13 : memref<!tpu.dma_semaphore, #tpu.memory_space<semaphore_mem>>)
    %dma_wait3A_130 = arith.constant 5 : i32
    %dma_wait3A_131 = arith.constant 0 : i32
    %dma_wait3A_132 = tpu.memref_slice %arg5[%dma_wait3A_130, %dma_wait3A_131] : memref<8x64xi32, #tpu.memory_space<vmem>> -> memref<1x64xi32, #tpu.memory_space<vmem>>
    %dma_wait3A_133 = tpu.memref_squeeze %dma_wait3A_132 : memref<1x64xi32, #tpu.memory_space<vmem>> -> memref<64xi32, #tpu.memory_space<vmem>>
    %dma_wait3A_134 = arith.constant 0 : i32
    %dma_wait3A_135 = arith.constant 0 : i32
    %dma_wait3A_136 = tpu.memref_slice %arg2[%dma_wait3A_134, %dma_wait3A_135] : memref<100000x256xf32, #tpu.memory_space<hbm>> -> memref<100000x256xf32, #tpu.memory_space<hbm>>
    tpu.wait_indirect_dma semaphore(%arg12 : memref<!tpu.dma_semaphore, #tpu.memory_space<semaphore_mem>>) src(%dma_wait3A_136 : memref<100000x256xf32, #tpu.memory_space<hbm>>) dst(%arg11 : memref<64x256xf32, #tpu.memory_space<vmem>>)
    %add3A_137 = arith.constant 320 : i32
    %add3A_138 = arith.addi %mul3A_2, %add3A_137 : i32
    %dma_start3A_139 = arith.constant 0 : i32
    %dma_start3A_140 = tpu.memref_slice %arg4[%add3A_138, %dma_start3A_139] : memref<16384x256xf32, #tpu.memory_space<hbm>> -> memref<64x256xf32, #tpu.memory_space<hbm>>
    %dma_start3A_141 = arith.constant 0 : i32
    %dma_start3A_142 = tpu.memref_slice %arg4[%add3A_138, %dma_start3A_141] : memref<16384x256xf32, #tpu.memory_space<hbm>> -> memref<64x256xf32, #tpu.memory_space<hbm>>
    tpu.enqueue_dma source(%arg11 : memref<64x256xf32, #tpu.memory_space<vmem>>) target(%dma_start3A_142 : memref<64x256xf32, #tpu.memory_space<hbm>>) target_semaphore(%arg13 : memref<!tpu.dma_semaphore, #tpu.memory_space<semaphore_mem>>)
    %dma_wait3A_143 = arith.constant 6 : i32
    %dma_wait3A_144 = arith.constant 0 : i32
    %dma_wait3A_145 = tpu.memref_slice %arg5[%dma_wait3A_143, %dma_wait3A_144] : memref<8x64xi32, #tpu.memory_space<vmem>> -> memref<1x64xi32, #tpu.memory_space<vmem>>
    %dma_wait3A_146 = tpu.memref_squeeze %dma_wait3A_145 : memref<1x64xi32, #tpu.memory_space<vmem>> -> memref<64xi32, #tpu.memory_space<vmem>>
    %dma_wait3A_147 = arith.constant 0 : i32
    %dma_wait3A_148 = arith.constant 0 : i32
    %dma_wait3A_149 = tpu.memref_slice %arg2[%dma_wait3A_147, %dma_wait3A_148] : memref<100000x256xf32, #tpu.memory_space<hbm>> -> memref<100000x256xf32, #tpu.memory_space<hbm>>
    tpu.wait_indirect_dma semaphore(%arg12 : memref<!tpu.dma_semaphore, #tpu.memory_space<semaphore_mem>>) src(%dma_wait3A_149 : memref<100000x256xf32, #tpu.memory_space<hbm>>) dst(%arg6 : memref<64x256xf32, #tpu.memory_space<vmem>>)
    %add3A_150 = arith.constant 384 : i32
    %add3A_151 = arith.addi %mul3A_2, %add3A_150 : i32
    %dma_start3A_152 = arith.constant 0 : i32
    %dma_start3A_153 = tpu.memref_slice %arg4[%add3A_151, %dma_start3A_152] : memref<16384x256xf32, #tpu.memory_space<hbm>> -> memref<64x256xf32, #tpu.memory_space<hbm>>
    %dma_start3A_154 = arith.constant 0 : i32
    %dma_start3A_155 = tpu.memref_slice %arg4[%add3A_151, %dma_start3A_154] : memref<16384x256xf32, #tpu.memory_space<hbm>> -> memref<64x256xf32, #tpu.memory_space<hbm>>
    tpu.enqueue_dma source(%arg6 : memref<64x256xf32, #tpu.memory_space<vmem>>) target(%dma_start3A_155 : memref<64x256xf32, #tpu.memory_space<hbm>>) target_semaphore(%arg13 : memref<!tpu.dma_semaphore, #tpu.memory_space<semaphore_mem>>)
    %dma_wait3A_156 = arith.constant 7 : i32
    %dma_wait3A_157 = arith.constant 0 : i32
    %dma_wait3A_158 = tpu.memref_slice %arg5[%dma_wait3A_156, %dma_wait3A_157] : memref<8x64xi32, #tpu.memory_space<vmem>> -> memref<1x64xi32, #tpu.memory_space<vmem>>
    %dma_wait3A_159 = tpu.memref_squeeze %dma_wait3A_158 : memref<1x64xi32, #tpu.memory_space<vmem>> -> memref<64xi32, #tpu.memory_space<vmem>>
    %dma_wait3A_160 = arith.constant 0 : i32
    %dma_wait3A_161 = arith.constant 0 : i32
    %dma_wait3A_162 = tpu.memref_slice %arg2[%dma_wait3A_160, %dma_wait3A_161] : memref<100000x256xf32, #tpu.memory_space<hbm>> -> memref<100000x256xf32, #tpu.memory_space<hbm>>
    tpu.wait_indirect_dma semaphore(%arg12 : memref<!tpu.dma_semaphore, #tpu.memory_space<semaphore_mem>>) src(%dma_wait3A_162 : memref<100000x256xf32, #tpu.memory_space<hbm>>) dst(%arg7 : memref<64x256xf32, #tpu.memory_space<vmem>>)
    %add3A_163 = arith.constant 448 : i32
    %add3A_164 = arith.addi %mul3A_2, %add3A_163 : i32
    %dma_start3A_165 = arith.constant 0 : i32
    %dma_start3A_166 = tpu.memref_slice %arg4[%add3A_164, %dma_start3A_165] : memref<16384x256xf32, #tpu.memory_space<hbm>> -> memref<64x256xf32, #tpu.memory_space<hbm>>
    %dma_start3A_167 = arith.constant 0 : i32
    %dma_start3A_168 = tpu.memref_slice %arg4[%add3A_164, %dma_start3A_167] : memref<16384x256xf32, #tpu.memory_space<hbm>> -> memref<64x256xf32, #tpu.memory_space<hbm>>
    tpu.enqueue_dma source(%arg7 : memref<64x256xf32, #tpu.memory_space<vmem>>) target(%dma_start3A_168 : memref<64x256xf32, #tpu.memory_space<hbm>>) target_semaphore(%arg13 : memref<!tpu.dma_semaphore, #tpu.memory_space<semaphore_mem>>)
    %dma_wait3A_169 = arith.constant 0 : i32
    %dma_wait3A_170 = tpu.memref_slice %arg4[%add3A_99, %dma_wait3A_169] : memref<16384x256xf32, #tpu.memory_space<hbm>> -> memref<64x256xf32, #tpu.memory_space<hbm>>
    %dma_wait3A_171 = arith.constant 0 : i32
    %dma_wait3A_172 = tpu.memref_slice %arg4[%add3A_99, %dma_wait3A_171] : memref<16384x256xf32, #tpu.memory_space<hbm>> -> memref<64x256xf32, #tpu.memory_space<hbm>>
    tpu.wait_dma2 semaphore(%arg13 : memref<!tpu.dma_semaphore, #tpu.memory_space<semaphore_mem>>) src(%arg8 : memref<64x256xf32, #tpu.memory_space<vmem>>) dst(%dma_wait3A_172 : memref<64x256xf32, #tpu.memory_space<hbm>>)
    %dma_wait3A_173 = arith.constant 0 : i32
    %dma_wait3A_174 = tpu.memref_slice %arg4[%add3A_112, %dma_wait3A_173] : memref<16384x256xf32, #tpu.memory_space<hbm>> -> memref<64x256xf32, #tpu.memory_space<hbm>>
    %dma_wait3A_175 = arith.constant 0 : i32
    %dma_wait3A_176 = tpu.memref_slice %arg4[%add3A_112, %dma_wait3A_175] : memref<16384x256xf32, #tpu.memory_space<hbm>> -> memref<64x256xf32, #tpu.memory_space<hbm>>
    tpu.wait_dma2 semaphore(%arg13 : memref<!tpu.dma_semaphore, #tpu.memory_space<semaphore_mem>>) src(%arg9 : memref<64x256xf32, #tpu.memory_space<vmem>>) dst(%dma_wait3A_176 : memref<64x256xf32, #tpu.memory_space<hbm>>)
    %dma_wait3A_177 = arith.constant 0 : i32
    %dma_wait3A_178 = tpu.memref_slice %arg4[%add3A_125, %dma_wait3A_177] : memref<16384x256xf32, #tpu.memory_space<hbm>> -> memref<64x256xf32, #tpu.memory_space<hbm>>
    %dma_wait3A_179 = arith.constant 0 : i32
    %dma_wait3A_180 = tpu.memref_slice %arg4[%add3A_125, %dma_wait3A_179] : memref<16384x256xf32, #tpu.memory_space<hbm>> -> memref<64x256xf32, #tpu.memory_space<hbm>>
    tpu.wait_dma2 semaphore(%arg13 : memref<!tpu.dma_semaphore, #tpu.memory_space<semaphore_mem>>) src(%arg10 : memref<64x256xf32, #tpu.memory_space<vmem>>) dst(%dma_wait3A_180 : memref<64x256xf32, #tpu.memory_space<hbm>>)
    %dma_wait3A_181 = arith.constant 0 : i32
    %dma_wait3A_182 = tpu.memref_slice %arg4[%add3A_138, %dma_wait3A_181] : memref<16384x256xf32, #tpu.memory_space<hbm>> -> memref<64x256xf32, #tpu.memory_space<hbm>>
    %dma_wait3A_183 = arith.constant 0 : i32
    %dma_wait3A_184 = tpu.memref_slice %arg4[%add3A_138, %dma_wait3A_183] : memref<16384x256xf32, #tpu.memory_space<hbm>> -> memref<64x256xf32, #tpu.memory_space<hbm>>
    tpu.wait_dma2 semaphore(%arg13 : memref<!tpu.dma_semaphore, #tpu.memory_space<semaphore_mem>>) src(%arg11 : memref<64x256xf32, #tpu.memory_space<vmem>>) dst(%dma_wait3A_184 : memref<64x256xf32, #tpu.memory_space<hbm>>)
    %dma_wait3A_185 = arith.constant 0 : i32
    %dma_wait3A_186 = tpu.memref_slice %arg4[%add3A_151, %dma_wait3A_185] : memref<16384x256xf32, #tpu.memory_space<hbm>> -> memref<64x256xf32, #tpu.memory_space<hbm>>
    %dma_wait3A_187 = arith.constant 0 : i32
    %dma_wait3A_188 = tpu.memref_slice %arg4[%add3A_151, %dma_wait3A_187] : memref<16384x256xf32, #tpu.memory_space<hbm>> -> memref<64x256xf32, #tpu.memory_space<hbm>>
    tpu.wait_dma2 semaphore(%arg13 : memref<!tpu.dma_semaphore, #tpu.memory_space<semaphore_mem>>) src(%arg6 : memref<64x256xf32, #tpu.memory_space<vmem>>) dst(%dma_wait3A_188 : memref<64x256xf32, #tpu.memory_space<hbm>>)
    %dma_wait3A_189 = arith.constant 0 : i32
    %dma_wait3A_190 = tpu.memref_slice %arg4[%add3A_164, %dma_wait3A_189] : memref<16384x256xf32, #tpu.memory_space<hbm>> -> memref<64x256xf32, #tpu.memory_space<hbm>>
    %dma_wait3A_191 = arith.constant 0 : i32
    %dma_wait3A_192 = tpu.memref_slice %arg4[%add3A_164, %dma_wait3A_191] : memref<16384x256xf32, #tpu.memory_space<hbm>> -> memref<64x256xf32, #tpu.memory_space<hbm>>
    tpu.wait_dma2 semaphore(%arg13 : memref<!tpu.dma_semaphore, #tpu.memory_space<semaphore_mem>>) src(%arg7 : memref<64x256xf32, #tpu.memory_space<vmem>>) dst(%dma_wait3A_192 : memref<64x256xf32, #tpu.memory_space<hbm>>)
    return
  }
}

module attributes {stable_mosaic.version = 14 : i64} {
  func.func @_proj_body(%arg0: i32, %arg1: memref<8192x256xf32, #tpu.memory_space<vmem>>, %arg2: memref<128x256xf32, #tpu.memory_space<vmem>>, %arg3: memref<1x128xf32, #tpu.memory_space<vmem>>, %arg4: memref<8192x128xf32, #tpu.memory_space<vmem>>) attributes {dimension_semantics = [#tpu.dimension_semantics<parallel>], iteration_bounds = array<i64: 2>, scalar_prefetch = 0 : i64, scratch_operands = 0 : i64, tpu.core_type = #tpu.core_type<tc>, window_params = [{transform_indices = @transform_0, window_bounds = array<i64: 8192, 256>}, {pipeline_mode = #tpu.pipeline_mode<synchronous>, transform_indices = @transform_1, window_bounds = array<i64: 128, 256>}, {pipeline_mode = #tpu.pipeline_mode<synchronous>, transform_indices = @transform_2, window_bounds = array<i64: 1, 128>}, {transform_indices = @transform_3, window_bounds = array<i64: 8192, 128>}]} {
    %get3A = arith.constant 0 : index
    %get3A_0 = arith.constant 0 : index
    %get3A_1 = vector.load %arg1[%get3A, %get3A_0] : memref<8192x256xf32, #tpu.memory_space<vmem>>, vector<8192x256xf32>
    %get3A_2 = arith.constant 0 : index
    %get3A_3 = arith.constant 0 : index
    %get3A_4 = vector.load %arg2[%get3A_2, %get3A_3] : memref<128x256xf32, #tpu.memory_space<vmem>>, vector<128x256xf32>
    %dot_general3A = arith.constant dense<0.000000e+00> : vector<8192x128xf32>
    %dot_general3A_5 = tpu.matmul %get3A_1, %get3A_4, %dot_general3A {dimension_numbers = #tpu.dot_dimension_numbers<[1], [1], [0], [0], [0, 0, 1, 0], [], []>, transpose_lhs_hint = false} : vector<8192x256xf32>, vector<128x256xf32>, vector<8192x128xf32> -> vector<8192x128xf32>
    %get3A_6 = arith.constant 0 : index
    %get3A_7 = arith.constant 0 : index
    %get3A_8 = vector.load %arg3[%get3A_6, %get3A_7] : memref<1x128xf32, #tpu.memory_space<vmem>>, vector<1x128xf32>
    %add3A = vector.broadcast %get3A_8 : vector<1x128xf32> to vector<8192x128xf32>
    %add3A_9 = arith.addf %dot_general3A_5, %add3A : vector<8192x128xf32>
    %swap3A = arith.constant 0 : index
    %swap3A_10 = arith.constant 0 : index
    %swap3A_11 = vector.load %arg4[%swap3A, %swap3A_10] : memref<8192x128xf32, #tpu.memory_space<vmem>>, vector<8192x128xf32>
    tpu.vector_store %arg4[%swap3A, %swap3A_10], %add3A_9 {strides = array<i32>} : memref<8192x128xf32, #tpu.memory_space<vmem>>, vector<8192x128xf32>,
    return
  }
  func.func @transform_0(%arg0: i32) -> (i32, i32) {
    %c0_i32 = arith.constant 0 : i32
    %c0_i32_0 = arith.constant 0 : i32
    return %arg0, %c0_i32 : i32, i32
  }
  func.func @transform_1(%arg0: i32) -> (i32, i32) {
    %c0_i32 = arith.constant 0 : i32
    %c0_i32_0 = arith.constant 0 : i32
    %c0_i32_1 = arith.constant 0 : i32
    return %c0_i32, %c0_i32_0 : i32, i32
  }
  func.func @transform_2(%arg0: i32) -> (i32, i32) {
    %c0_i32 = arith.constant 0 : i32
    %c0_i32_0 = arith.constant 0 : i32
    %c0_i32_1 = arith.constant 0 : i32
    return %c0_i32, %c0_i32_0 : i32, i32
  }
  func.func @transform_3(%arg0: i32) -> (i32, i32) {
    %c0_i32 = arith.constant 0 : i32
    %c0_i32_0 = arith.constant 0 : i32
    return %arg0, %c0_i32 : i32, i32
  }
}

</mosaic_0001>

<sc_bundles>
// kernel: kernel.4.cloned.1.call-start
scs
__scs_entry_jumppad:
0x0: {  	(pc) =	sbr.rel $0x88, $3  }
0x1: {  	(tag) =	ssettag $0x0;
	lr =	simm.s32 $0x1  }
0x2: {  	[smem:$0x3F9D] =	sst lr;
	_ =	strace $0xD0000000  }
0x3: {  	_ = 	snop  }
0x4: {  	_ = 	snop  }
0x5: {  	_ = 	snop  }
0x6: {  	_ = 	snop  }
0x7: {  	_ = 	snop  }
__scs_overlays_trampoline_lowered:
0x8: {  	[smem:$0x3FAC] =	sst s0  }
0x9: {  	[smem:$0x3FAD] =	sst s1  }
0xa: {  	[smem:$0x3FAE] =	sst s2  }
0xb: {  	[smem:$0x3FAF] =	sst s3  }
0xc: {  	[smem:$0x3FB0] =	sst s4  }
0xd: {  	[smem:$0x3FB1] =	sst s5  }
0xe: {  	[smem:$0x3FB2] =	sst s6  }
0xf: {  	[smem:$0x3FB3] =	sst s7  }
0x10: {  	[smem:$0x3FB4] =	sst s8  }
0x11: {  	[smem:$0x3FB5] =	sst s9;
	s0 =	simm.s32 @!p0 $0x0  }
0x12: {  	s1 =	sld [smem:$0x3F9B];
	s0 =	simm.s32 @p0 $0x1  }
0x13: {  	[smem:$0x3FB6] =	sst s0;
	s0 =	simm.s32 @!p1 $0x0  }
0x14: {  	s2 =	sld [smem:$0x3F9A];
	s0 =	simm.s32 @p1 $0x1  }
0x15: {  	[smem:$0x3FB7] =	sst s0;
	s0 =	simm.s32 @!p2 $0x0  }
0x16: {  	s3 =	sld [smem:$0x3FDB];
	s0 =	simm.s32 @p2 $0x1  }
0x17: {  	s4 =	simm.s32 $0x1BF5;
	[smem:$0x3FB9] =	sst s0  }
0x18: {  	s0 =	sld [smem:$0x3F9C];
	_ =	swait.ge [sflag:s4], $0x0  }
0x19: {  	s7 =	sld [smem:$0x3F9D]  }
0x1a: {  	s8 =	sadd.s32 $0xFFFFE003, lr  }
0x1b: {  	s9 =	sadd.s32 $0xFFFFFEF7, lr;
	s5 =	simm.s32 $0xFFFFFFFF;
	p2 =	slt.u32 s8, $0xFFFFF086  }
0x1c: {  	p1 =	slt.u32 s9, $0xF7A;
	s5 =	simm.s32 @!p2 $0x0  }
0x1d: {  	s5 =	simm.s32 @p1 $0x1;
	p0 =	seq.s32 s7, s2  }
0x1e: {  	s7 =	smul.u32 @!p0 $0xF7A, s2;
	p2 =	seq.s32 @!p0 s5, $0x0  }
0x1f: {  	s9 =	smul.u32 $0xF7A, s1;
	s8 =	simm.s32 @!p0 $0x1BF5;
	p2 =	por !p2, p0  }
0x20: {  	[sflag:s8] =	ssyncset.s32 @!p0 $0xFFFFF086;
	s6 =	sadd.s32 @!p0 s3, s7;
	s7 =	simm.s32 @!p0 $0x108  }
0x21: {  	s3 =	sadd.s32 s3, s9;
	s6 =	sadd.s32 @!p0 $0x88, s6;
	s7 =	simm.s32 @p2 $0x1082  }
0x22: {  	[simem:s7], [sflag:s8] =	dma.local @!p0 [hbm:s6], $0xF7A  }
0x23: {  	s9 =	sor.u32 $0xD0000000, s2;
	s6 =	simm.s32 $0x108;
	_ =	swait.ge @!p0 [sflag:s8], $0x0  }
0x24: {  	s3 =	sadd.s32 $0x88, s3;
	s6 =	simm.s32 @!p1 $0x1082;
	[sflag:s4] =	ssyncset.s32 $0xFFFFF086  }
0x25: {  	[simem:s6], [sflag:s4] =	dma.local [hbm:s3], $0xF7A  }
0x26: {  	[smem:$0x3F9D] =	sst s1;
	(tag) =	ssettag s2;
	_ =	strace s9  }
0x27: {  	s1 =	sld [smem:$0x3FAD]  }
0x28: {  	s2 =	sld [smem:$0x3FAE]  }
0x29: {  	s4 =	sld [smem:$0x3FB0]  }
0x2a: {  	p0 =	seq.s32 s5, $0x0;
	s5 =	sld [smem:$0x3FB1]  }
0x2b: {  	s6 =	sld [smem:$0x3FB2]  }
0x2c: {  	s7 =	sld [smem:$0x3FB3]  }
0x2d: {  	s3 =	simm.s32 $0x108;
	s8 =	sld [smem:$0x3FB4]  }
0x2e: {  	s3 =	simm.s32 @!p0 $0x1082;
	s9 =	sld [smem:$0x3FB5]  }
0x2f: {  	lr =	sadd.s32 s0, s3;
	s0 =	sld [smem:$0x3FAC]  }
0x30: {  	s3 =	sld [smem:$0x3FAF]  }
0x31: {  	[smem:$0x3FB8] =	sst s10  }
0x32: {  	s10 =	sld [smem:$0x3FB6];
	_ =	sdelay $0x3  }
0x33: {  	p0 =	seq.s32 s10, $0x1;
	s10 =	sld [smem:$0x3FB8];
	_ =	sdelay $0x3  }
0x34: {  	[smem:$0x3FB8] =	sst s10  }
0x35: {  	s10 =	sld [smem:$0x3FB7];
	_ =	sdelay $0x3  }
0x36: {  	p1 =	seq.s32 s10, $0x1;
	s10 =	sld [smem:$0x3FB8];
	_ =	sdelay $0x3  }
0x37: {  	[smem:$0x3FB8] =	sst s10  }
0x38: {  	s10 =	sld [smem:$0x3FB9]  }
0x39: {  	_ = 	snop;
	(pc) =	sbr.ind lr, $3  }
0x3a: {  	_ = 	snop  }
0x3b: {  	_ = 	snop  }
0x3c: {  	p2 =	seq.s32 s10, $0x1;
	s10 =	sld [smem:$0x3FB8]  }
0x3d: {  	_ =	shalt  }
0x3e: {  	_ =	shalt  }
0x3f: {  	_ =	shalt  }
0x40: {  	_ =	shalt  }
0x41: {  	_ =	shalt  }
0x42: {  	_ =	shalt  }
0x43: {  	_ =	shalt  }
0x44: {  	_ =	shalt  }
0x45: {  	_ =	shalt  }
0x46: {  	_ =	shalt  }
0x47: {  	_ =	shalt  }
0x48: {  	_ =	shalt  }
0x49: {  	_ =	shalt  }
0x4a: {  	_ =	shalt  }
0x4b: {  	_ =	shalt  }
0x4c: {  	_ =	shalt  }
0x4d: {  	_ =	shalt  }
0x4e: {  	_ =	shalt  }
0x4f: {  	_ =	shalt  }
0x50: {  	_ =	shalt  }
0x51: {  	_ =	shalt  }
0x52: {  	_ =	shalt  }
0x53: {  	_ =	shalt  }
0x54: {  	_ =	shalt  }
0x55: {  	_ =	shalt  }
0x56: {  	_ =	shalt  }
0x57: {  	_ =	shalt  }
0x58: {  	_ =	shalt  }
0x59: {  	_ =	shalt  }
0x5a: {  	_ =	shalt  }
0x5b: {  	_ =	shalt  }
0x5c: {  	_ =	shalt  }
0x5d: {  	_ =	shalt  }
0x5e: {  	_ =	shalt  }
0x5f: {  	_ =	shalt  }
0x60: {  	_ =	shalt  }
0x61: {  	_ =	shalt  }
0x62: {  	_ =	shalt  }
0x63: {  	_ =	shalt  }
0x64: {  	_ =	shalt  }
0x65: {  	_ =	shalt  }
0x66: {  	_ =	shalt  }
0x67: {  	_ =	shalt  }
0x68: {  	_ =	shalt  }
0x69: {  	_ =	shalt  }
0x6a: {  	_ =	shalt  }
0x6b: {  	_ =	shalt  }
0x6c: {  	_ =	shalt  }
0x6d: {  	_ =	shalt  }
0x6e: {  	_ =	shalt  }
0x6f: {  	_ =	shalt  }
0x70: {  	_ =	shalt  }
0x71: {  	_ =	shalt  }
0x72: {  	_ =	shalt  }
0x73: {  	_ =	shalt  }
0x74: {  	_ =	shalt  }
0x75: {  	_ =	shalt  }
0x76: {  	_ =	shalt  }
0x77: {  	_ =	shalt  }
0x78: {  	_ =	shalt  }
0x79: {  	_ =	shalt  }
0x7a: {  	_ =	shalt  }
0x7b: {  	_ =	shalt  }
0x7c: {  	_ =	shalt  }
0x7d: {  	_ =	shalt  }
0x7e: {  	_ =	shalt  }
0x7f: {  	_ =	shalt  }
0x80: {  	_ =	shalt  }
0x81: {  	_ =	shalt  }
0x82: {  	_ =	shalt  }
0x83: {  	_ =	shalt  }
0x84: {  	_ =	shalt  }
0x85: {  	_ =	shalt  }
0x86: {  	_ =	shalt  }
0x87: {  	_ =	shalt  }
.Lfunc_end0:
.L_simem_size_0:
called_computation_lowered:
.L_overlay_start_0:
0x88: {  	s2 =	sld [smem:$0x3FD9]  }
0x89: {  	s3 =	sld [smem:$0x3FFE];
	_ =	sdelay $0x1  }
0x8a: {  	s1 =	srdreg.scid  }
0x8b: {  	s0 =	sand.u32 $0x1, s1  }
0x8c: {  	s17 =	sshll.u32 s0, $0xA;
	s2 =	sadd.s32 s3, s2  }
0x8d: {  	s2 =	sadd.s32 s2, s17  }
0x8e: {  	[smem:$0x3FC4] =	sst s2  }
0x8f: {  	_ = 	snop  }
0x90: {  	s2 =	sld [smem:$0x3FC8]  }
0x91: {  	s18 =	sld [smem:$0x3FD0];
	(tm) =	ssettm $0x1  }
0x92: {  	s4 =	sld [smem:$0x3FFB];
	_ =	sdelay $0x3  }
0x93: {  	_ =	strace s4  }
0x94: {  	s4 =	sld [smem:$0x3FFC];
	_ =	sdelay $0x3  }
0x95: {  	_ =	strace s4  }
0x96: {  	s4 =	sld [smem:$0x3FFD];
	_ =	sdelay $0x3  }
0x97: {  	_ =	strace s4  }
0x98: {  	_ =	strace $0x8FFFFFFF  }
0x99: {  	s19 =	sld [smem:$0x3FDB];
	_ =	sdelay $0x1  }
0x9a: {  	s5 =	simm.s32 $_scs_section_size  }
0x9b: {  	s6 =	simm.s32 $_size__tile_overlayer_lowered;
	s7 =	simm.s32 $_tile_overlayer_lowered  }
0x9c: {  	s22 =	simm.s32 $0x1BFF;
	s21 =	sshll.u32 s7, $0x1;
	s4 =	sadd.s32 s5, s19  }
0x9d: {  	s8 =	simm.s32 $0x0;
	s20 =	sshll.u32 s6, $0x1;
	s6 =	sadd.s32 s21, s4  }
0x9e: {  	[timem:s8], [sflag:s22] =	dma.local [hbm:s6], s20  }
0x9f: {  	_ =	swait.ge [sflag:s22], s20  }
0xa0: {  	s5 =	ssub.s32 $0x0, s20;
	[sflag:s22] =	ssyncset.done $0x0  }
0xa1: {  	[sflag:s22] =	ssyncadd.s32 s5;
	_ =	sdelay $0x1  }
0xa2: {  	s23 =	simm.s32 $0x1B8B  }
0xa3: {  	_ =	swait.ge [sflag:s23], $0x1  }
0xa4: {  	[sflag:s23] =	ssyncset.done $0x0  }
0xa5: {  	s25 =	simm.s32 $0x1B8E;
	s24 =	sld [smem:$0x3FFE];
	[sflag:s23] =	ssyncadd.s32 $0xFFFFFFFF  }
0xa6: {  	s26 =	simm.s32 $execute0_lowered;
	[smem:$0x3FD2] =	sst s25  }
0xa7: {  	s6 =	sshll.u32 s26, $0x1;
	_ =	strace $0x80000046;
	[dreg:$0x1] =	wrdreg $0xFFFFFFFF  }
0xa8: {  	s28 =	simm.s32 $_size_execute0_lowered;
	s4 =	sadd.s32 s4, s6;
	[dreg:$0x0] =	wrdreg $0x0  }
0xa9: {  	s6 =	sshll.u32 s28, $0x1;
	[dreg:$0x2] =	wrdreg s4  }
0xaa: {  	[dreg:$0x3] =	wrdreg s6  }
0xab: {  	[dreg:$0x4] =	wrdreg $0xC0  }
0xac: {  	_ =	task [dreg:s8], $0x5FFFF  }
0xad: {  	[dreg:$0x1] =	wrdreg $0xFFFFFFFF  }
0xae: {  	[dreg:$0x0] =	wrdreg $0x60  }
0xaf: {  	[dreg:$0x2] =	wrdreg s2  }
0xb0: {  	[dreg:$0x3] =	wrdreg s18  }
0xb1: {  	[dreg:$0x4] =	wrdreg s24  }
0xb2: {  	[dreg:$0x5] =	wrdreg $0x9  }
0xb3: {  	_ =	task.clear_ibuf [dreg:s8], $0x6FFFF;
	_ =	strace $0x90000046  }
0xb4: {  	s29 =	simm.s32 $0x9;
	_ =	strace $0x80000048  }
0xb5: {  	_ =	swait.ge [sflag:s29], $0x1  }
0xb6: {  	[sflag:s29] =	ssyncadd.s32 $0xFFFFFFFF  }
0xb7: {  	_ =	strace $0x90000048  }
0xb8: {  	_ =	sfence  }
0xb9: {  	s30 =	sld [smem:$0x0];
	_ =	sdelay $0x2  }
0xba: {  	s31 =	sshll.u32 s1, $0xD;
	s1 =	sshrl.u32 s1, $0x2  }
0xbb: {  	s3 =	sand.u32 $0x4000, s31;
	s1 =	sadd.s32 s1, s30  }
0xbc: {  	s0 =	sor.u32 s3, s0;
	s1 =	sshll.u32 s1, $0x11  }
0xbd: {  	s0 =	sor.u32 s1, s0  }
0xbe: {  	s0 =	sadd.s32 $0x8F2B, s0  }
0xbf: {  	[sflag:s0] =	ssyncadd.remote.s32 $0x1  }
0xc0: {  	_ =	sfence.sel $0xFFFF  }
0xc1: {  	[dreg:$0x0] =	wrdreg $0xFFFFFFFF;
	(pc) =	sbr.abs _section_cstart, $3  }
0xc2: {  	[dreg:$0x1] =	wrdreg $0xFFFFFFFF  }
0xc3: {  	_ =	task.clear_ibuf [dreg:s8], $0x2FFFF;
	_ =	strace $0x9FFFFFFF  }
0xc4: {  	(tm) =	ssettm $0x7FFFFFFF  }
0xc5: {  	_ =	shalt  }
tec
execute0_lowered:
.L_overlay_start_1:
0x0: {  	(tag) =	ssettag $0x1  }
0x1: {  	s1 =	rddreg [dreg:$0x0]  }
0x2: {  	s2 =	rddreg [dreg:$0x1];
	s3 =	srdreg.scid  }
0x3: {  	s0 =	stileid.u32;
	s4 =	rddreg [dreg:$0x2]  }
0x4: {  	s24 =	simm.s32 $0x8C00;
	s5 =	sand.u32 $0x1, s3;
	s3 =	simm.s32 $0x0  }
0x5: {  	s26 =	simm.s32 $0x9400;
	s8 =	simm.s32 $0xB400;
	[smem:$0x7FF] =	sst s3  }
0x6: {  	s9 =	simm.s32 $0xBC00;
	_ =	strace $0x80000047;
	[dreg:$0xd] =	wrdreg s24  }
0x7: {  	s6 =	sshll.u32 s0, $0x1;
	s0 =	simm.s32 $0x9C00;
	[dreg:$0xe] =	wrdreg s26  }
0x8: {  	s10 =	simm.s32 $0xCC00;
	s11 =	simm.s32 $0xD400;
	[dreg:$0xf] =	wrdreg s0  }
0x9: {  	s12 =	simm.s32 $0xDC00;
	s13 =	simm.s32 $0xE400;
	[dreg:$0x12] =	wrdreg s8  }
0xa: {  	s14 =	simm.s32 $0xEC00;
	s15 =	simm.s32 $0xF400;
	[dreg:$0x13] =	wrdreg s9  }
0xb: {  	s28 =	simm.s32 $0x16C00;
	s29 =	simm.s32 $0x17400;
	[dreg:$0x14] =	wrdreg s10  }
0xc: {  	s30 =	simm.s32 $0x17C00;
	s31 =	simm.s32 $0x1;
	[dreg:$0x15] =	wrdreg s11  }
0xd: {  	s6 =	sor.u32 s5, s6;
	s25 =	ssub.s32 $0x2, s5;
	[dreg:$0x16] =	wrdreg s12  }
0xe: {  	s7 =	sshll.u32 s6, $0xE;
	s6 =	sshll.u32 s6, $0x7;
	[dreg:$0x17] =	wrdreg s13  }
0xf: {  	s5 =	sshrl.u32 s25, $0x1;
	s8 =	simm.s32 $0x1400;
	[dreg:$0x18] =	wrdreg s14  }
0x10: {  	s9 =	simm.s32 $0x1C00;
	[dreg:$0x19] =	wrdreg s15;
	s24 =	simm.s32 $0x14C00  }
0x11: {  	s10 =	simm.s32 $0x2400;
	s26 =	simm.s32 $0x15C00;
	[smem:$0x7FB] =	sst s24  }
0x12: {  	s11 =	simm.s32 $0x2C00;
	s2 =	sadd.s32 s2, s6;
	[smem:$0x7FD] =	sst s26  }
0x13: {  	s12 =	simm.s32 $0x3400;
	s6 =	simm.s32 $0xA400;
	[dreg:$0x4] =	wrdreg s2  }
0x14: {  	s4 =	sadd.s32 s7, s4;
	s7 =	simm.s32 $0xAC00;
	[dreg:$0x10] =	wrdreg s6  }
0x15: {  	s13 =	simm.s32 $0x3C00;
	s16 =	sadd.s32 $0xA00, s4;
	[dreg:$0x11] =	wrdreg s7  }
0x16: {  	s14 =	simm.s32 $0x4400;
	s17 =	sadd.s32 $0x1200, s4;
	[dreg:$0x5] =	wrdreg s16  }
0x17: {  	s15 =	simm.s32 $0x4C00;
	s18 =	sadd.s32 $0x1A00, s4;
	[dreg:$0x6] =	wrdreg s17  }
0x18: {  	s24 =	simm.s32 $0x10400;
	s19 =	sadd.s32 $0x2200, s4;
	[dreg:$0x7] =	wrdreg s18  }
0x19: {  	s20 =	sadd.s32 $0x2A00, s4;
	s21 =	sadd.s32 $0x3200, s4;
	[dreg:$0x8] =	wrdreg s19  }
0x1a: {  	s22 =	sadd.s32 $0x3A00, s4;
	s23 =	sadd.s32 $0x4200, s4;
	[dreg:$0x9] =	wrdreg s20  }
0x1b: {  	s4 =	ssub.s32 s25, s5;
	s5 =	simm.s32 $0x3;
	[dreg:$0xa] =	wrdreg s21  }
0x1c: {  	s6 =	simm.s32 $0x400;
	s7 =	simm.s32 $0xC00;
	[dreg:$0xb] =	wrdreg s22  }
0x1d: {  	s25 =	simm.s32 $0x15400;
	s2 =	simm.s32 $0x2;
	[dreg:$0xc] =	wrdreg s23  }
0x1e: {  	s4 =	smax.u32 s4, $0x1;
	s16 =	simm.s32 $0xFC00;
	[smem:$0x7FC] =	sst s25  }
0x1f: {  	s17 =	simm.s32 $0x10C00;
	s18 =	simm.s32 $0x11400;
	[dreg:$0x1a] =	wrdreg s16  }
0x20: {  	s19 =	simm.s32 $0x11C00;
	s20 =	simm.s32 $0x12400;
	[dreg:$0x1b] =	wrdreg s17  }
0x21: {  	s21 =	simm.s32 $0x12C00;
	s22 =	simm.s32 $0x13400;
	[dreg:$0x1c] =	wrdreg s18  }
0x22: {  	s23 =	simm.s32 $0x13C00;
	s25 =	simm.s32 $0x14400;
	[dreg:$0x1d] =	wrdreg s19  }
0x23: {  	s16 =	simm.s32 $0x5400;
	s17 =	simm.s32 $0x5C00;
	[dreg:$0x1e] =	wrdreg s20  }
0x24: {  	v2 =	vlaneseq.u32;
	s18 =	simm.s32 $0x6400;
	s19 =	simm.s32 $0x6C00;
	[dreg:$0x1f] =	wrdreg s21  }
0x25: {  	vm0 =	vmmov $0xffff;
	v1 =	vshrl.u32 v2, $0x3;
	s20 =	simm.s32 $0x7400;
	[smem:$0x7F9] =	sst s22;
	s21 =	simm.s32 $0x7C00  }
0x26: {  	v0 =	vand.u32 $0x7, v2;
	v2 =	vor.u32 $0x8, v2;
	v1 =	vmul.u32 $0x8, v1;
	[smem:$0x7FA] =	sst s23;
	s22 =	simm.s32 $0x8400;
	s23 =	simm.s32 $0xC400  }
.LBB2_1:
0x27: {  	s0 =	rddreg [dreg:$0x4]  }
0x28: {  	[tilespmem:s3], [sflag:$0x3] =	stream.linear.gather [hbm4b:s0+s3], $0x400, $0x38;
	[tilespmem:$0x18400] =	vst v63  }
0x29: {  	_ =	swait.ge [sflag:s5], $0x400  }
0x2a: {  	[sflag:s5] =	ssyncset.done $0x0  }
0x2b: {  	[sflag:s5] =	ssyncadd.s32 $0xFFFFFC00  }
0x2c: {  	v3 =	vld [tilespmem:$0x0];
	_ =	sdelay $0x4  }
0x2d: {  	v4 =	vshll.u32 v3, $0x1  }
0x2e: {  	v3 =	vand.u32 $0x7, v3;
	v4 =	vand.u32 $0xFFFFFFF0, v4  }
0x2f: {  	v3 =	vor.u32 v3, v4  }
0x30: {  	v4 =	vperm.xlane v3, v0;
	_ =	sdelay $0x1  }
0x31: {  	v3 =	vperm.xlane v3, v2;
	v4 =	vadd.s32 v1, v4;
	_ =	sdelay $0x1  }
0x32: {  	v3 =	vadd.s32 v1, v3;
	_ =	sdelay $0x2  }
0x33: {  	[tilespmem:s6], [sflag:$0x1] =	stream.indirect_vreg.gather [hbm4b:s1+s3], $0x80, v4, vm0, $0xb8;
	[tilespmem:$0x18400] =	vst v63  }
0x34: {  	_ = 	snop  }
0x35: {  	[tilespmem:s7], [sflag:$0x1] =	stream.indirect_vreg.gather [hbm4b:s1+s3], $0x80, v3, vm0, $0xb8;
	[tilespmem:$0x18400] =	vst v63  }
0x36: {  	v3 =	vld [tilespmem:$0x10];
	_ =	sdelay $0x4  }
0x37: {  	v33 =	vshll.u32 v3, $0x1  }
0x38: {  	v3 =	vand.u32 $0x7, v3;
	v4 =	vand.u32 $0xFFFFFFF0, v33  }
0x39: {  	v3 =	vor.u32 v3, v4  }
0x3a: {  	v4 =	vperm.xlane v3, v0;
	_ =	sdelay $0x1  }
0x3b: {  	v3 =	vperm.xlane v3, v2;
	v4 =	vadd.s32 v1, v4;
	_ =	sdelay $0x1  }
0x3c: {  	v3 =	vadd.s32 v1, v3;
	_ =	sdelay $0x2  }
0x3d: {  	[tilespmem:s8], [sflag:$0x1] =	stream.indirect_vreg.gather [hbm4b:s1+s3], $0x80, v4, vm0, $0xb8;
	[tilespmem:$0x18400] =	vst v63  }
0x3e: {  	_ = 	snop  }
0x3f: {  	[tilespmem:s9], [sflag:$0x1] =	stream.indirect_vreg.gather [hbm4b:s1+s3], $0x80, v3, vm0, $0xb8;
	[tilespmem:$0x18400] =	vst v63  }
0x40: {  	v3 =	vld [tilespmem:$0x20];
	_ =	sdelay $0x4  }
0x41: {  	v34 =	vshll.u32 v3, $0x1  }
0x42: {  	v3 =	vand.u32 $0x7, v3;
	v4 =	vand.u32 $0xFFFFFFF0, v34  }
0x43: {  	v3 =	vor.u32 v3, v4  }
0x44: {  	v4 =	vperm.xlane v3, v0;
	_ =	sdelay $0x1  }
0x45: {  	v3 =	vperm.xlane v3, v2;
	v4 =	vadd.s32 v1, v4;
	_ =	sdelay $0x1  }
0x46: {  	v3 =	vadd.s32 v1, v3;
	_ =	sdelay $0x2  }
0x47: {  	[tilespmem:s10], [sflag:$0x1] =	stream.indirect_vreg.gather [hbm4b:s1+s3], $0x80, v4, vm0, $0xb8;
	[tilespmem:$0x18400] =	vst v63  }
0x48: {  	_ = 	snop  }
0x49: {  	[tilespmem:s11], [sflag:$0x1] =	stream.indirect_vreg.gather [hbm4b:s1+s3], $0x80, v3, vm0, $0xb8;
	[tilespmem:$0x18400] =	vst v63  }
0x4a: {  	v3 =	vld [tilespmem:$0x30];
	_ =	sdelay $0x4  }
0x4b: {  	v35 =	vshll.u32 v3, $0x1  }
0x4c: {  	v3 =	vand.u32 $0x7, v3;
	v4 =	vand.u32 $0xFFFFFFF0, v35  }
0x4d: {  	v3 =	vor.u32 v3, v4  }
0x4e: {  	v4 =	vperm.xlane v3, v0;
	_ =	sdelay $0x1  }
0x4f: {  	v3 =	vperm.xlane v3, v2;
	v4 =	vadd.s32 v1, v4;
	_ =	sdelay $0x1  }
0x50: {  	v3 =	vadd.s32 v1, v3;
	_ =	sdelay $0x2  }
0x51: {  	[tilespmem:s12], [sflag:$0x1] =	stream.indirect_vreg.gather [hbm4b:s1+s3], $0x80, v4, vm0, $0xb8;
	[tilespmem:$0x18400] =	vst v63  }
0x52: {  	_ = 	snop  }
0x53: {  	[tilespmem:s13], [sflag:$0x1] =	stream.indirect_vreg.gather [hbm4b:s1+s3], $0x80, v3, vm0, $0xb8;
	[tilespmem:$0x18400] =	vst v63  }
0x54: {  	v3 =	vld [tilespmem:$0x80];
	_ =	sdelay $0x4  }
0x55: {  	v36 =	vshll.u32 v3, $0x1  }
0x56: {  	v3 =	vand.u32 $0x7, v3;
	v4 =	vand.u32 $0xFFFFFFF0, v36  }
0x57: {  	v3 =	vor.u32 v3, v4  }
0x58: {  	v4 =	vperm.xlane v3, v0;
	_ =	sdelay $0x1  }
0x59: {  	v3 =	vperm.xlane v3, v2;
	v4 =	vadd.s32 v1, v4;
	_ =	sdelay $0x1  }
0x5a: {  	v3 =	vadd.s32 v1, v3;
	_ =	sdelay $0x2  }
0x5b: {  	[tilespmem:s14], [sflag:$0x1] =	stream.indirect_vreg.gather [hbm4b:s1+s3], $0x80, v4, vm0, $0xb8;
	[tilespmem:$0x18400] =	vst v63  }
0x5c: {  	_ = 	snop  }
0x5d: {  	[tilespmem:s15], [sflag:$0x1] =	stream.indirect_vreg.gather [hbm4b:s1+s3], $0x80, v3, vm0, $0xb8;
	[tilespmem:$0x18400] =	vst v63  }
0x5e: {  	v3 =	vld [tilespmem:$0x90];
	_ =	sdelay $0x4  }
0x5f: {  	v37 =	vshll.u32 v3, $0x1  }
0x60: {  	v3 =	vand.u32 $0x7, v3;
	v4 =	vand.u32 $0xFFFFFFF0, v37  }
0x61: {  	v3 =	vor.u32 v3, v4  }
0x62: {  	v4 =	vperm.xlane v3, v0;
	_ =	sdelay $0x1  }
0x63: {  	v3 =	vperm.xlane v3, v2;
	v4 =	vadd.s32 v1, v4;
	_ =	sdelay $0x1  }
0x64: {  	v3 =	vadd.s32 v1, v3;
	_ =	sdelay $0x2  }
0x65: {  	[tilespmem:s16], [sflag:$0x1] =	stream.indirect_vreg.gather [hbm4b:s1+s3], $0x80, v4, vm0, $0xb8;
	[tilespmem:$0x18400] =	vst v63  }
0x66: {  	_ = 	snop  }
0x67: {  	[tilespmem:s17], [sflag:$0x1] =	stream.indirect_vreg.gather [hbm4b:s1+s3], $0x80, v3, vm0, $0xb8;
	[tilespmem:$0x18400] =	vst v63  }
0x68: {  	v3 =	vld [tilespmem:$0xA0];
	_ =	sdelay $0x4  }
0x69: {  	v38 =	vshll.u32 v3, $0x1  }
0x6a: {  	v3 =	vand.u32 $0x7, v3;
	v4 =	vand.u32 $0xFFFFFFF0, v38  }
0x6b: {  	v3 =	vor.u32 v3, v4  }
0x6c: {  	v4 =	vperm.xlane v3, v0;
	_ =	sdelay $0x1  }
0x6d: {  	v3 =	vperm.xlane v3, v2;
	v4 =	vadd.s32 v1, v4;
	_ =	sdelay $0x1  }
0x6e: {  	v3 =	vadd.s32 v1, v3;
	_ =	sdelay $0x2  }
0x6f: {  	[tilespmem:s18], [sflag:$0x1] =	stream.indirect_vreg.gather [hbm4b:s1+s3], $0x80, v4, vm0, $0xb8;
	[tilespmem:$0x18400] =	vst v63  }
0x70: {  	_ = 	snop  }
0x71: {  	[tilespmem:s19], [sflag:$0x1] =	stream.indirect_vreg.gather [hbm4b:s1+s3], $0x80, v3, vm0, $0xb8;
	[tilespmem:$0x18400] =	vst v63  }
0x72: {  	v3 =	vld [tilespmem:$0xB0];
	_ =	sdelay $0x4  }
0x73: {  	v39 =	vshll.u32 v3, $0x1  }
0x74: {  	v3 =	vand.u32 $0x7, v3;
	v4 =	vand.u32 $0xFFFFFFF0, v39  }
0x75: {  	v3 =	vor.u32 v3, v4  }
0x76: {  	v4 =	vperm.xlane v3, v0;
	_ =	sdelay $0x1  }
0x77: {  	v3 =	vperm.xlane v3, v2;
	v4 =	vadd.s32 v1, v4;
	_ =	sdelay $0x1  }
0x78: {  	v3 =	vadd.s32 v1, v3;
	_ =	sdelay $0x2  }
0x79: {  	[tilespmem:s20], [sflag:$0x1] =	stream.indirect_vreg.gather [hbm4b:s1+s3], $0x80, v4, vm0, $0xb8;
	[tilespmem:$0x18400] =	vst v63  }
0x7a: {  	_ = 	snop  }
0x7b: {  	[tilespmem:s21], [sflag:$0x1] =	stream.indirect_vreg.gather [hbm4b:s1+s3], $0x80, v3, vm0, $0xb8;
	[tilespmem:$0x18400] =	vst v63  }
0x7c: {  	v3 =	vld [tilespmem:$0x100];
	_ =	sdelay $0x4  }
0x7d: {  	v40 =	vshll.u32 v3, $0x1  }
0x7e: {  	v3 =	vand.u32 $0x7, v3;
	v4 =	vand.u32 $0xFFFFFFF0, v40  }
0x7f: {  	v3 =	vor.u32 v3, v4  }
0x80: {  	v4 =	vperm.xlane v3, v0;
	_ =	sdelay $0x1  }
0x81: {  	v3 =	vperm.xlane v3, v2;
	v4 =	vadd.s32 v1, v4;
	_ =	sdelay $0x1  }
0x82: {  	v3 =	vadd.s32 v1, v3;
	_ =	sdelay $0x2  }
0x83: {  	[tilespmem:s22], [sflag:$0x1] =	stream.indirect_vreg.gather [hbm4b:s1+s3], $0x80, v4, vm0, $0xb8;
	[tilespmem:$0x18400] =	vst v63  }
0x84: {  	s26 =	rddreg [dreg:$0xd]  }
0x85: {  	[tilespmem:s26], [sflag:$0x1] =	stream.indirect_vreg.gather [hbm4b:s1+s3], $0x80, v3, vm0, $0xb8;
	[tilespmem:$0x18400] =	vst v63  }
0x86: {  	v3 =	vld [tilespmem:$0x110];
	_ =	sdelay $0x4  }
0x87: {  	v41 =	vshll.u32 v3, $0x1  }
0x88: {  	v3 =	vand.u32 $0x7, v3;
	v4 =	vand.u32 $0xFFFFFFF0, v41  }
0x89: {  	v3 =	vor.u32 v3, v4  }
0x8a: {  	v4 =	vperm.xlane v3, v0;
	_ =	sdelay $0x1  }
0x8b: {  	v3 =	vperm.xlane v3, v2;
	v4 =	vadd.s32 v1, v4;
	_ =	sdelay $0x1  }
0x8c: {  	v3 =	vadd.s32 v1, v3;
	_ =	sdelay $0x1  }
0x8d: {  	s0 =	rddreg [dreg:$0xe]  }
0x8e: {  	[tilespmem:s0], [sflag:$0x1] =	stream.indirect_vreg.gather [hbm4b:s1+s3], $0x80, v4, vm0, $0xb8;
	[tilespmem:$0x18400] =	vst v63  }
0x8f: {  	s26 =	rddreg [dreg:$0xf]  }
0x90: {  	[tilespmem:s26], [sflag:$0x1] =	stream.indirect_vreg.gather [hbm4b:s1+s3], $0x80, v3, vm0, $0xb8;
	[tilespmem:$0x18400] =	vst v63  }
0x91: {  	v3 =	vld [tilespmem:$0x120];
	_ =	sdelay $0x4  }
0x92: {  	v42 =	vshll.u32 v3, $0x1  }
0x93: {  	v3 =	vand.u32 $0x7, v3;
	v4 =	vand.u32 $0xFFFFFFF0, v42  }
0x94: {  	v3 =	vor.u32 v3, v4  }
0x95: {  	v4 =	vperm.xlane v3, v0;
	_ =	sdelay $0x1  }
0x96: {  	v3 =	vperm.xlane v3, v2;
	v4 =	vadd.s32 v1, v4;
	_ =	sdelay $0x1  }
0x97: {  	v3 =	vadd.s32 v1, v3;
	_ =	sdelay $0x1  }
0x98: {  	s0 =	rddreg [dreg:$0x10]  }
0x99: {  	[tilespmem:s0], [sflag:$0x1] =	stream.indirect_vreg.gather [hbm4b:s1+s3], $0x80, v4, vm0, $0xb8;
	[tilespmem:$0x18400] =	vst v63  }
0x9a: {  	s26 =	rddreg [dreg:$0x11]  }
0x9b: {  	[tilespmem:s26], [sflag:$0x1] =	stream.indirect_vreg.gather [hbm4b:s1+s3], $0x80, v3, vm0, $0xb8;
	[tilespmem:$0x18400] =	vst v63  }
0x9c: {  	v3 =	vld [tilespmem:$0x130];
	_ =	sdelay $0x4  }
0x9d: {  	v43 =	vshll.u32 v3, $0x1  }
0x9e: {  	v3 =	vand.u32 $0x7, v3;
	v4 =	vand.u32 $0xFFFFFFF0, v43  }
0x9f: {  	v3 =	vor.u32 v3, v4  }
0xa0: {  	v4 =	vperm.xlane v3, v0;
	_ =	sdelay $0x1  }
0xa1: {  	v3 =	vperm.xlane v3, v2;
	v4 =	vadd.s32 v1, v4;
	_ =	sdelay $0x1  }
0xa2: {  	v3 =	vadd.s32 v1, v3;
	_ =	sdelay $0x1  }
0xa3: {  	s0 =	rddreg [dreg:$0x12]  }
0xa4: {  	[tilespmem:s0], [sflag:$0x1] =	stream.indirect_vreg.gather [hbm4b:s1+s3], $0x80, v4, vm0, $0xb8;
	[tilespmem:$0x18400] =	vst v63  }
0xa5: {  	s26 =	rddreg [dreg:$0x13]  }
0xa6: {  	[tilespmem:s26], [sflag:$0x1] =	stream.indirect_vreg.gather [hbm4b:s1+s3], $0x80, v3, vm0, $0xb8;
	[tilespmem:$0x18400] =	vst v63  }
0xa7: {  	v3 =	vld [tilespmem:$0x180];
	_ =	sdelay $0x4  }
0xa8: {  	v44 =	vshll.u32 v3, $0x1  }
0xa9: {  	v3 =	vand.u32 $0x7, v3;
	v4 =	vand.u32 $0xFFFFFFF0, v44  }
0xaa: {  	v3 =	vor.u32 v3, v4  }
0xab: {  	v4 =	vperm.xlane v3, v0;
	_ =	sdelay $0x1  }
0xac: {  	v3 =	vperm.xlane v3, v2;
	v4 =	vadd.s32 v1, v4;
	_ =	sdelay $0x1  }
0xad: {  	v3 =	vadd.s32 v1, v3;
	_ =	sdelay $0x2  }
0xae: {  	[tilespmem:s23], [sflag:$0x1] =	stream.indirect_vreg.gather [hbm4b:s1+s3], $0x80, v4, vm0, $0xb8;
	[tilespmem:$0x18400] =	vst v63  }
0xaf: {  	s26 =	rddreg [dreg:$0x14]  }
0xb0: {  	[tilespmem:s26], [sflag:$0x1] =	stream.indirect_vreg.gather [hbm4b:s1+s3], $0x80, v3, vm0, $0xb8;
	[tilespmem:$0x18400] =	vst v63  }
0xb1: {  	v3 =	vld [tilespmem:$0x190];
	_ =	sdelay $0x4  }
0xb2: {  	v45 =	vshll.u32 v3, $0x1  }
0xb3: {  	v3 =	vand.u32 $0x7, v3;
	v4 =	vand.u32 $0xFFFFFFF0, v45  }
0xb4: {  	v3 =	vor.u32 v3, v4  }
0xb5: {  	v4 =	vperm.xlane v3, v0;
	_ =	sdelay $0x1  }
0xb6: {  	v3 =	vperm.xlane v3, v2;
	v4 =	vadd.s32 v1, v4;
	_ =	sdelay $0x1  }
0xb7: {  	v3 =	vadd.s32 v1, v3;
	_ =	sdelay $0x1  }
0xb8: {  	s0 =	rddreg [dreg:$0x15]  }
0xb9: {  	[tilespmem:s0], [sflag:$0x1] =	stream.indirect_vreg.gather [hbm4b:s1+s3], $0x80, v4, vm0, $0xb8;
	[tilespmem:$0x18400] =	vst v63  }
0xba: {  	s26 =	rddreg [dreg:$0x16]  }
0xbb: {  	[tilespmem:s26], [sflag:$0x1] =	stream.indirect_vreg.gather [hbm4b:s1+s3], $0x80, v3, vm0, $0xb8;
	[tilespmem:$0x18400] =	vst v63  }
0xbc: {  	v3 =	vld [tilespmem:$0x1A0];
	_ =	sdelay $0x4  }
0xbd: {  	v46 =	vshll.u32 v3, $0x1  }
0xbe: {  	v3 =	vand.u32 $0x7, v3;
	v4 =	vand.u32 $0xFFFFFFF0, v46  }
0xbf: {  	v3 =	vor.u32 v3, v4  }
0xc0: {  	v4 =	vperm.xlane v3, v0;
	_ =	sdelay $0x1  }
0xc1: {  	v3 =	vperm.xlane v3, v2;
	v4 =	vadd.s32 v1, v4;
	_ =	sdelay $0x1  }
0xc2: {  	v3 =	vadd.s32 v1, v3;
	_ =	sdelay $0x1  }
0xc3: {  	s0 =	rddreg [dreg:$0x17]  }
0xc4: {  	[tilespmem:s0], [sflag:$0x1] =	stream.indirect_vreg.gather [hbm4b:s1+s3], $0x80, v4, vm0, $0xb8;
	[tilespmem:$0x18400] =	vst v63  }
0xc5: {  	s26 =	rddreg [dreg:$0x18]  }
0xc6: {  	[tilespmem:s26], [sflag:$0x1] =	stream.indirect_vreg.gather [hbm4b:s1+s3], $0x80, v3, vm0, $0xb8;
	[tilespmem:$0x18400] =	vst v63  }
0xc7: {  	v3 =	vld [tilespmem:$0x1B0];
	_ =	sdelay $0x4  }
0xc8: {  	v47 =	vshll.u32 v3, $0x1  }
0xc9: {  	v3 =	vand.u32 $0x7, v3;
	v4 =	vand.u32 $0xFFFFFFF0, v47  }
0xca: {  	v3 =	vor.u32 v3, v4  }
0xcb: {  	v4 =	vperm.xlane v3, v0;
	_ =	sdelay $0x1  }
0xcc: {  	v3 =	vperm.xlane v3, v2;
	v4 =	vadd.s32 v1, v4;
	_ =	sdelay $0x1  }
0xcd: {  	v3 =	vadd.s32 v1, v3;
	_ =	sdelay $0x1  }
0xce: {  	s0 =	rddreg [dreg:$0x19]  }
0xcf: {  	[tilespmem:s0], [sflag:$0x1] =	stream.indirect_vreg.gather [hbm4b:s1+s3], $0x80, v4, vm0, $0xb8;
	[tilespmem:$0x18400] =	vst v63  }
0xd0: {  	s26 =	rddreg [dreg:$0x1a]  }
0xd1: {  	[tilespmem:s26], [sflag:$0x1] =	stream.indirect_vreg.gather [hbm4b:s1+s3], $0x80, v3, vm0, $0xb8;
	[tilespmem:$0x18400] =	vst v63  }
0xd2: {  	v3 =	vld [tilespmem:$0x200];
	_ =	sdelay $0x4  }
0xd3: {  	v48 =	vshll.u32 v3, $0x1  }
0xd4: {  	v3 =	vand.u32 $0x7, v3;
	v4 =	vand.u32 $0xFFFFFFF0, v48  }
0xd5: {  	v3 =	vor.u32 v3, v4  }
0xd6: {  	v4 =	vperm.xlane v3, v0;
	_ =	sdelay $0x1  }
0xd7: {  	v3 =	vperm.xlane v3, v2;
	v4 =	vadd.s32 v1, v4;
	_ =	sdelay $0x1  }
0xd8: {  	v3 =	vadd.s32 v1, v3;
	_ =	sdelay $0x2  }
0xd9: {  	[tilespmem:s24], [sflag:$0x1] =	stream.indirect_vreg.gather [hbm4b:s1+s3], $0x80, v4, vm0, $0xb8;
	[tilespmem:$0x18400] =	vst v63  }
0xda: {  	s26 =	rddreg [dreg:$0x1b]  }
0xdb: {  	[tilespmem:s26], [sflag:$0x1] =	stream.indirect_vreg.gather [hbm4b:s1+s3], $0x80, v3, vm0, $0xb8;
	[tilespmem:$0x18400] =	vst v63  }
0xdc: {  	v3 =	vld [tilespmem:$0x210];
	_ =	sdelay $0x4  }
0xdd: {  	v49 =	vshll.u32 v3, $0x1  }
0xde: {  	v3 =	vand.u32 $0x7, v3;
	v4 =	vand.u32 $0xFFFFFFF0, v49  }
0xdf: {  	v3 =	vor.u32 v3, v4  }
0xe0: {  	v4 =	vperm.xlane v3, v0;
	_ =	sdelay $0x1  }
0xe1: {  	v3 =	vperm.xlane v3, v2;
	v4 =	vadd.s32 v1, v4;
	_ =	sdelay $0x1  }
0xe2: {  	v3 =	vadd.s32 v1, v3;
	_ =	sdelay $0x1  }
0xe3: {  	s0 =	rddreg [dreg:$0x1c]  }
0xe4: {  	[tilespmem:s0], [sflag:$0x1] =	stream.indirect_vreg.gather [hbm4b:s1+s3], $0x80, v4, vm0, $0xb8;
	[tilespmem:$0x18400] =	vst v63  }
0xe5: {  	s26 =	rddreg [dreg:$0x1d]  }
0xe6: {  	[tilespmem:s26], [sflag:$0x1] =	stream.indirect_vreg.gather [hbm4b:s1+s3], $0x80, v3, vm0, $0xb8;
	[tilespmem:$0x18400] =	vst v63  }
0xe7: {  	v3 =	vld [tilespmem:$0x220];
	_ =	sdelay $0x4  }
0xe8: {  	v50 =	vshll.u32 v3, $0x1  }
0xe9: {  	v3 =	vand.u32 $0x7, v3;
	v4 =	vand.u32 $0xFFFFFFF0, v50  }
0xea: {  	v3 =	vor.u32 v3, v4  }
0xeb: {  	v4 =	vperm.xlane v3, v0;
	_ =	sdelay $0x1  }
0xec: {  	v3 =	vperm.xlane v3, v2;
	v4 =	vadd.s32 v1, v4;
	_ =	sdelay $0x1  }
0xed: {  	v3 =	vadd.s32 v1, v3;
	_ =	sdelay $0x1  }
0xee: {  	s0 =	rddreg [dreg:$0x1e]  }
0xef: {  	[tilespmem:s0], [sflag:$0x1] =	stream.indirect_vreg.gather [hbm4b:s1+s3], $0x80, v4, vm0, $0xb8;
	[tilespmem:$0x18400] =	vst v63  }
0xf0: {  	s26 =	rddreg [dreg:$0x1f]  }
0xf1: {  	[tilespmem:s26], [sflag:$0x1] =	stream.indirect_vreg.gather [hbm4b:s1+s3], $0x80, v3, vm0, $0xb8;
	[tilespmem:$0x18400] =	vst v63  }
0xf2: {  	v3 =	vld [tilespmem:$0x230];
	_ =	sdelay $0x4  }
0xf3: {  	v51 =	vshll.u32 v3, $0x1  }
0xf4: {  	v3 =	vand.u32 $0x7, v3;
	v4 =	vand.u32 $0xFFFFFFF0, v51  }
0xf5: {  	v3 =	vor.u32 v3, v4  }
0xf6: {  	v4 =	vperm.xlane v3, v0;
	_ =	sdelay $0x1  }
0xf7: {  	v3 =	vperm.xlane v3, v2;
	v4 =	vadd.s32 v1, v4;
	_ =	sdelay $0x1  }
0xf8: {  	s0 =	sld [smem:$0x7F9];
	v3 =	vadd.s32 v1, v3;
	_ =	sdelay $0x1  }
0xf9: {  	s26 =	sld [smem:$0x7FA]  }
0xfa: {  	[tilespmem:s0], [sflag:$0x1] =	stream.indirect_vreg.gather [hbm4b:s1+s3], $0x80, v4, vm0, $0xb8;
	[tilespmem:$0x18400] =	vst v63  }
0xfb: {  	_ = 	snop  }
0xfc: {  	[tilespmem:s26], [sflag:$0x1] =	stream.indirect_vreg.gather [hbm4b:s1+s3], $0x80, v3, vm0, $0xb8;
	[tilespmem:$0x18400] =	vst v63  }
0xfd: {  	v3 =	vld [tilespmem:$0x280];
	_ =	sdelay $0x4  }
0xfe: {  	v52 =	vshll.u32 v3, $0x1  }
0xff: {  	v3 =	vand.u32 $0x7, v3;
	v4 =	vand.u32 $0xFFFFFFF0, v52  }
0x100: {  	v3 =	vor.u32 v3, v4  }
0x101: {  	v4 =	vperm.xlane v3, v0;
	_ =	sdelay $0x1  }
0x102: {  	v3 =	vperm.xlane v3, v2;
	v4 =	vadd.s32 v1, v4;
	_ =	sdelay $0x1  }
0x103: {  	v3 =	vadd.s32 v1, v3;
	_ =	sdelay $0x1  }
0x104: {  	s26 =	sld [smem:$0x7FB]  }
0x105: {  	[tilespmem:s25], [sflag:$0x1] =	stream.indirect_vreg.gather [hbm4b:s1+s3], $0x80, v4, vm0, $0xb8;
	[tilespmem:$0x18400] =	vst v63  }
0x106: {  	_ = 	snop  }
0x107: {  	[tilespmem:s26], [sflag:$0x1] =	stream.indirect_vreg.gather [hbm4b:s1+s3], $0x80, v3, vm0, $0xb8;
	[tilespmem:$0x18400] =	vst v63  }
0x108: {  	v3 =	vld [tilespmem:$0x290];
	_ =	sdelay $0x4  }
0x109: {  	v53 =	vshll.u32 v3, $0x1  }
0x10a: {  	v3 =	vand.u32 $0x7, v3;
	v4 =	vand.u32 $0xFFFFFFF0, v53  }
0x10b: {  	v3 =	vor.u32 v3, v4  }
0x10c: {  	v4 =	vperm.xlane v3, v0;
	_ =	sdelay $0x1  }
0x10d: {  	v3 =	vperm.xlane v3, v2;
	v4 =	vadd.s32 v1, v4;
	_ =	sdelay $0x1  }
0x10e: {  	s0 =	sld [smem:$0x7FC];
	v3 =	vadd.s32 v1, v3;
	_ =	sdelay $0x1  }
0x10f: {  	s26 =	sld [smem:$0x7FD]  }
0x110: {  	[tilespmem:s0], [sflag:$0x1] =	stream.indirect_vreg.gather [hbm4b:s1+s3], $0x80, v4, vm0, $0xb8;
	[tilespmem:$0x18400] =	vst v63  }
0x111: {  	_ = 	snop  }
0x112: {  	[tilespmem:s26], [sflag:$0x1] =	stream.indirect_vreg.gather [hbm4b:s1+s3], $0x80, v3, vm0, $0xb8;
	[tilespmem:$0x18400] =	vst v63  }
0x113: {  	v3 =	vld [tilespmem:$0x2A0];
	_ =	sdelay $0x4  }
0x114: {  	v54 =	vshll.u32 v3, $0x1  }
0x115: {  	v3 =	vand.u32 $0x7, v3;
	v4 =	vand.u32 $0xFFFFFFF0, v54  }
0x116: {  	v3 =	vor.u32 v3, v4  }
0x117: {  	v4 =	vperm.xlane v3, v0;
	_ =	sdelay $0x1  }
0x118: {  	v3 =	vperm.xlane v3, v2;
	v4 =	vadd.s32 v1, v4;
	_ =	sdelay $0x1  }
0x119: {  	v3 =	vadd.s32 v1, v3;
	_ =	sdelay $0x1  }
0x11a: {  	s26 =	simm.s32 $0x16400  }
0x11b: {  	[tilespmem:s26], [sflag:$0x1] =	stream.indirect_vreg.gather [hbm4b:s1+s3], $0x80, v4, vm0, $0xb8;
	[tilespmem:$0x18400] =	vst v63  }
0x11c: {  	_ = 	snop  }
0x11d: {  	[tilespmem:s28], [sflag:$0x1] =	stream.indirect_vreg.gather [hbm4b:s1+s3], $0x80, v3, vm0, $0xb8;
	[tilespmem:$0x18400] =	vst v63  }
0x11e: {  	v3 =	vld [tilespmem:$0x2B0];
	_ =	sdelay $0x4  }
0x11f: {  	v55 =	vshll.u32 v3, $0x1  }
0x120: {  	v3 =	vand.u32 $0x7, v3;
	v4 =	vand.u32 $0xFFFFFFF0, v55  }
0x121: {  	v3 =	vor.u32 v3, v4  }
0x122: {  	v4 =	vperm.xlane v3, v0;
	_ =	sdelay $0x1  }
0x123: {  	v3 =	vperm.xlane v3, v2;
	v4 =	vadd.s32 v1, v4;
	_ =	sdelay $0x1  }
0x124: {  	v3 =	vadd.s32 v1, v3;
	_ =	sdelay $0x2  }
0x125: {  	[tilespmem:s29], [sflag:$0x1] =	stream.indirect_vreg.gather [hbm4b:s1+s3], $0x80, v4, vm0, $0xb8;
	[tilespmem:$0x18400] =	vst v63  }
0x126: {  	_ = 	snop  }
0x127: {  	[tilespmem:s30], [sflag:$0x1] =	stream.indirect_vreg.gather [hbm4b:s1+s3], $0x80, v3, vm0, $0xb8;
	[tilespmem:$0x18400] =	vst v63  }
0x128: {  	_ =	swait.ge [sflag:s31], $0x4000  }
0x129: {  	[sflag:s31] =	ssyncset.done $0x0  }
0x12a: {  	s26 =	rddreg [dreg:$0x5];
	[sflag:s31] =	ssyncadd.s32 $0xFFFFC000  }
0x12b: {  	[hbm4b:s26+s3] =	stream.linear.scatter [tilespmem:s6], [sflag:$0x2], $0x4000, $0x38;
	[tilespmem:$0x18400] =	vst v63  }
0x12c: {  	_ =	swait.ge [sflag:s2], $0x4000  }
0x12d: {  	[sflag:s2] =	ssyncset.done $0x0  }
0x12e: {  	[sflag:s2] =	ssyncadd.s32 $0xFFFFC000  }
0x12f: {  	v3 =	vld [tilespmem:$0x300];
	_ =	sdelay $0x4  }
0x130: {  	v56 =	vshll.u32 v3, $0x1  }
0x131: {  	v3 =	vand.u32 $0x7, v3;
	v4 =	vand.u32 $0xFFFFFFF0, v56  }
0x132: {  	v3 =	vor.u32 v3, v4  }
0x133: {  	v4 =	vperm.xlane v3, v0;
	_ =	sdelay $0x1  }
0x134: {  	v3 =	vperm.xlane v3, v2;
	v4 =	vadd.s32 v1, v4;
	_ =	sdelay $0x1  }
0x135: {  	v3 =	vadd.s32 v1, v3;
	_ =	sdelay $0x2  }
0x136: {  	[tilespmem:s6], [sflag:$0x1] =	stream.indirect_vreg.gather [hbm4b:s1+s3], $0x80, v4, vm0, $0xb8;
	[tilespmem:$0x18400] =	vst v63  }
0x137: {  	_ = 	snop  }
0x138: {  	[tilespmem:s7], [sflag:$0x1] =	stream.indirect_vreg.gather [hbm4b:s1+s3], $0x80, v3, vm0, $0xb8;
	[tilespmem:$0x18400] =	vst v63  }
0x139: {  	v3 =	vld [tilespmem:$0x310];
	_ =	sdelay $0x4  }
0x13a: {  	v57 =	vshll.u32 v3, $0x1  }
0x13b: {  	v3 =	vand.u32 $0x7, v3;
	v4 =	vand.u32 $0xFFFFFFF0, v57  }
0x13c: {  	v3 =	vor.u32 v3, v4  }
0x13d: {  	v4 =	vperm.xlane v3, v0;
	_ =	sdelay $0x1  }
0x13e: {  	v3 =	vperm.xlane v3, v2;
	v4 =	vadd.s32 v1, v4;
	_ =	sdelay $0x1  }
0x13f: {  	v3 =	vadd.s32 v1, v3;
	_ =	sdelay $0x2  }
0x140: {  	[tilespmem:s8], [sflag:$0x1] =	stream.indirect_vreg.gather [hbm4b:s1+s3], $0x80, v4, vm0, $0xb8;
	[tilespmem:$0x18400] =	vst v63  }
0x141: {  	_ = 	snop  }
0x142: {  	[tilespmem:s9], [sflag:$0x1] =	stream.indirect_vreg.gather [hbm4b:s1+s3], $0x80, v3, vm0, $0xb8;
	[tilespmem:$0x18400] =	vst v63  }
0x143: {  	v3 =	vld [tilespmem:$0x320];
	_ =	sdelay $0x4  }
0x144: {  	v58 =	vshll.u32 v3, $0x1  }
0x145: {  	v3 =	vand.u32 $0x7, v3;
	v4 =	vand.u32 $0xFFFFFFF0, v58  }
0x146: {  	v3 =	vor.u32 v3, v4  }
0x147: {  	v4 =	vperm.xlane v3, v0;
	_ =	sdelay $0x1  }
0x148: {  	v3 =	vperm.xlane v3, v2;
	v4 =	vadd.s32 v1, v4;
	_ =	sdelay $0x1  }
0x149: {  	v3 =	vadd.s32 v1, v3;
	_ =	sdelay $0x2  }
0x14a: {  	[tilespmem:s10], [sflag:$0x1] =	stream.indirect_vreg.gather [hbm4b:s1+s3], $0x80, v4, vm0, $0xb8;
	[tilespmem:$0x18400] =	vst v63  }
0x14b: {  	_ = 	snop  }
0x14c: {  	[tilespmem:s11], [sflag:$0x1] =	stream.indirect_vreg.gather [hbm4b:s1+s3], $0x80, v3, vm0, $0xb8;
	[tilespmem:$0x18400] =	vst v63  }
0x14d: {  	v3 =	vld [tilespmem:$0x330];
	_ =	sdelay $0x4  }
0x14e: {  	v59 =	vshll.u32 v3, $0x1  }
0x14f: {  	v3 =	vand.u32 $0x7, v3;
	v4 =	vand.u32 $0xFFFFFFF0, v59  }
0x150: {  	v3 =	vor.u32 v3, v4  }
0x151: {  	v4 =	vperm.xlane v3, v0;
	_ =	sdelay $0x1  }
0x152: {  	v3 =	vperm.xlane v3, v2;
	v4 =	vadd.s32 v1, v4;
	_ =	sdelay $0x1  }
0x153: {  	v3 =	vadd.s32 v1, v3;
	_ =	sdelay $0x2  }
0x154: {  	[tilespmem:s12], [sflag:$0x1] =	stream.indirect_vreg.gather [hbm4b:s1+s3], $0x80, v4, vm0, $0xb8;
	[tilespmem:$0x18400] =	vst v63  }
0x155: {  	_ = 	snop  }
0x156: {  	[tilespmem:s13], [sflag:$0x1] =	stream.indirect_vreg.gather [hbm4b:s1+s3], $0x80, v3, vm0, $0xb8;
	[tilespmem:$0x18400] =	vst v63  }
0x157: {  	_ =	swait.ge [sflag:s31], $0x4000  }
0x158: {  	[sflag:s31] =	ssyncset.done $0x0  }
0x159: {  	s26 =	rddreg [dreg:$0x6];
	[sflag:s31] =	ssyncadd.s32 $0xFFFFC000  }
0x15a: {  	[hbm4b:s26+s3] =	stream.linear.scatter [tilespmem:s14], [sflag:$0x2], $0x4000, $0x38;
	[tilespmem:$0x18400] =	vst v63  }
0x15b: {  	_ =	swait.ge [sflag:s2], $0x4000  }
0x15c: {  	[sflag:s2] =	ssyncset.done $0x0  }
0x15d: {  	[sflag:s2] =	ssyncadd.s32 $0xFFFFC000  }
0x15e: {  	v3 =	vld [tilespmem:$0x380];
	_ =	sdelay $0x4  }
0x15f: {  	v60 =	vshll.u32 v3, $0x1  }
0x160: {  	v3 =	vand.u32 $0x7, v3;
	v4 =	vand.u32 $0xFFFFFFF0, v60  }
0x161: {  	v3 =	vor.u32 v3, v4  }
0x162: {  	v4 =	vperm.xlane v3, v0;
	_ =	sdelay $0x1  }
0x163: {  	v3 =	vperm.xlane v3, v2;
	v4 =	vadd.s32 v1, v4;
	_ =	sdelay $0x1  }
0x164: {  	v3 =	vadd.s32 v1, v3;
	_ =	sdelay $0x2  }
0x165: {  	[tilespmem:s14], [sflag:$0x1] =	stream.indirect_vreg.gather [hbm4b:s1+s3], $0x80, v4, vm0, $0xb8;
	[tilespmem:$0x18400] =	vst v63  }
0x166: {  	_ = 	snop  }
0x167: {  	[tilespmem:s15], [sflag:$0x1] =	stream.indirect_vreg.gather [hbm4b:s1+s3], $0x80, v3, vm0, $0xb8;
	[tilespmem:$0x18400] =	vst v63  }
0x168: {  	v3 =	vld [tilespmem:$0x390];
	_ =	sdelay $0x4  }
0x169: {  	v61 =	vshll.u32 v3, $0x1  }
0x16a: {  	v3 =	vand.u32 $0x7, v3;
	v4 =	vand.u32 $0xFFFFFFF0, v61  }
0x16b: {  	v3 =	vor.u32 v3, v4  }
0x16c: {  	v4 =	vperm.xlane v3, v0;
	_ =	sdelay $0x1  }
0x16d: {  	v3 =	vperm.xlane v3, v2;
	v4 =	vadd.s32 v1, v4;
	_ =	sdelay $0x1  }
0x16e: {  	v3 =	vadd.s32 v1, v3;
	_ =	sdelay $0x2  }
0x16f: {  	[tilespmem:s16], [sflag:$0x1] =	stream.indirect_vreg.gather [hbm4b:s1+s3], $0x80, v4, vm0, $0xb8;
	[tilespmem:$0x18400] =	vst v63  }
0x170: {  	_ = 	snop  }
0x171: {  	[tilespmem:s17], [sflag:$0x1] =	stream.indirect_vreg.gather [hbm4b:s1+s3], $0x80, v3, vm0, $0xb8;
	[tilespmem:$0x18400] =	vst v63  }
0x172: {  	v3 =	vld [tilespmem:$0x3A0];
	_ =	sdelay $0x4  }
0x173: {  	v62 =	vshll.u32 v3, $0x1  }
0x174: {  	v3 =	vand.u32 $0x7, v3;
	v4 =	vand.u32 $0xFFFFFFF0, v62  }
0x175: {  	v3 =	vor.u32 v3, v4  }
0x176: {  	v4 =	vperm.xlane v3, v0;
	_ =	sdelay $0x1  }
0x177: {  	v3 =	vperm.xlane v3, v2;
	v4 =	vadd.s32 v1, v4;
	_ =	sdelay $0x1  }
0x178: {  	v3 =	vadd.s32 v1, v3;
	_ =	sdelay $0x2  }
0x179: {  	[tilespmem:s18], [sflag:$0x1] =	stream.indirect_vreg.gather [hbm4b:s1+s3], $0x80, v4, vm0, $0xb8;
	[tilespmem:$0x18400] =	vst v63  }
0x17a: {  	_ = 	snop  }
0x17b: {  	[tilespmem:s19], [sflag:$0x1] =	stream.indirect_vreg.gather [hbm4b:s1+s3], $0x80, v3, vm0, $0xb8;
	[tilespmem:$0x18400] =	vst v63  }
0x17c: {  	v3 =	vld [tilespmem:$0x3B0];
	_ =	sdelay $0x4  }
0x17d: {  	v63 =	vshll.u32 v3, $0x1  }
0x17e: {  	v3 =	vand.u32 $0x7, v3;
	v4 =	vand.u32 $0xFFFFFFF0, v63  }
0x17f: {  	v3 =	vor.u32 v3, v4  }
0x180: {  	v4 =	vperm.xlane v3, v0;
	_ =	sdelay $0x1  }
0x181: {  	v3 =	vperm.xlane v3, v2;
	v4 =	vadd.s32 v1, v4;
	_ =	sdelay $0x1  }
0x182: {  	v3 =	vadd.s32 v1, v3;
	_ =	sdelay $0x2  }
0x183: {  	[tilespmem:s20], [sflag:$0x1] =	stream.indirect_vreg.gather [hbm4b:s1+s3], $0x80, v4, vm0, $0xb8;
	[tilespmem:$0x18400] =	vst v63  }
0x184: {  	_ = 	snop  }
0x185: {  	[tilespmem:s21], [sflag:$0x1] =	stream.indirect_vreg.gather [hbm4b:s1+s3], $0x80, v3, vm0, $0xb8;
	[tilespmem:$0x18400] =	vst v63  }
0x186: {  	_ =	swait.ge [sflag:s31], $0x4000  }
0x187: {  	[sflag:s31] =	ssyncset.done $0x0  }
0x188: {  	s26 =	rddreg [dreg:$0x7];
	[sflag:s31] =	ssyncadd.s32 $0xFFFFC000  }
0x189: {  	[hbm4b:s26+s3] =	stream.linear.scatter [tilespmem:s22], [sflag:$0x2], $0x4000, $0x38;
	[tilespmem:$0x18400] =	vst v63  }
0x18a: {  	_ =	swait.ge [sflag:s31], $0x4000  }
0x18b: {  	[sflag:s31] =	ssyncset.done $0x0  }
0x18c: {  	s26 =	rddreg [dreg:$0x8];
	[sflag:s31] =	ssyncadd.s32 $0xFFFFC000  }
0x18d: {  	[hbm4b:s26+s3] =	stream.linear.scatter [tilespmem:s23], [sflag:$0x2], $0x4000, $0x38;
	[tilespmem:$0x18400] =	vst v63  }
0x18e: {  	_ =	swait.ge [sflag:s31], $0x4000  }
0x18f: {  	[sflag:s31] =	ssyncset.done $0x0  }
0x190: {  	s26 =	rddreg [dreg:$0x9];
	[sflag:s31] =	ssyncadd.s32 $0xFFFFC000  }
0x191: {  	[hbm4b:s26+s3] =	stream.linear.scatter [tilespmem:s24], [sflag:$0x2], $0x4000, $0x38;
	[tilespmem:$0x18400] =	vst v63  }
0x192: {  	_ =	swait.ge [sflag:s31], $0x4000  }
0x193: {  	[sflag:s31] =	ssyncset.done $0x0  }
0x194: {  	s26 =	rddreg [dreg:$0xa];
	[sflag:s31] =	ssyncadd.s32 $0xFFFFC000  }
0x195: {  	[hbm4b:s26+s3] =	stream.linear.scatter [tilespmem:s25], [sflag:$0x2], $0x4000, $0x38;
	[tilespmem:$0x18400] =	vst v63  }
0x196: {  	_ =	swait.ge [sflag:s31], $0x4000  }
0x197: {  	[sflag:s31] =	ssyncset.done $0x0  }
0x198: {  	s26 =	rddreg [dreg:$0xb];
	[sflag:s31] =	ssyncadd.s32 $0xFFFFC000  }
0x199: {  	[hbm4b:s26+s3] =	stream.linear.scatter [tilespmem:s6], [sflag:$0x2], $0x4000, $0x38;
	[tilespmem:$0x18400] =	vst v63  }
0x19a: {  	_ =	swait.ge [sflag:s31], $0x4000  }
0x19b: {  	[sflag:s31] =	ssyncset.done $0x0  }
0x19c: {  	s26 =	rddreg [dreg:$0xc];
	[sflag:s31] =	ssyncadd.s32 $0xFFFFC000  }
0x19d: {  	[hbm4b:s26+s3] =	stream.linear.scatter [tilespmem:s14], [sflag:$0x2], $0x4000, $0x38;
	[tilespmem:$0x18400] =	vst v63  }
0x19e: {  	_ =	swait.ge [sflag:s2], $0x4000  }
0x19f: {  	[sflag:s2] =	ssyncset.done $0x0  }
0x1a0: {  	[sflag:s2] =	ssyncadd.s32 $0xFFFFC000  }
0x1a1: {  	_ =	swait.ge [sflag:s2], $0x4000  }
0x1a2: {  	[sflag:s2] =	ssyncset.done $0x0  }
0x1a3: {  	[sflag:s2] =	ssyncadd.s32 $0xFFFFC000  }
0x1a4: {  	_ =	swait.ge [sflag:s2], $0x4000  }
0x1a5: {  	[sflag:s2] =	ssyncset.done $0x0  }
0x1a6: {  	[sflag:s2] =	ssyncadd.s32 $0xFFFFC000  }
0x1a7: {  	_ =	swait.ge [sflag:s2], $0x4000  }
0x1a8: {  	[sflag:s2] =	ssyncset.done $0x0  }
0x1a9: {  	[sflag:s2] =	ssyncadd.s32 $0xFFFFC000  }
0x1aa: {  	p0 =	sne.s32 s4, $0x1;
	_ =	swait.ge [sflag:s2], $0x4000  }
.Ltmp0:
0x1ab: {  	[sflag:s2] =	ssyncset.done $0x0;
	(pc) =	sbr.rel @p0 .LBB2_1-.Ltmp0, $4  }
0x1ac: {  	[sflag:s2] =	ssyncadd.s32 $0xFFFFC000  }
0x1ad: {  	_ =	swait.ge [sflag:s2], $0x4000  }
0x1ae: {  	[sflag:s2] =	ssyncset.done $0x0  }
0x1af: {  	s4 =	sadd.s32 $0xFFFFFFFF, s4;
	[sflag:s2] =	ssyncadd.s32 $0xFFFFC000  }
0x1b0: {  	_ =	sfence.sel $0x180000  }
0x1b1: {  	[bflag:$0x0] =	sbarrier.arrive $0xFFFF  }
0x1b2: {  	_ =	strace $0x90000047  }
0x1b3: {  	s0 =	stileid.u32;
	[bflag:$0x2] =	sbarrier.arrive $0xFFFF  }
0x1b4: {  	p0 =	sne.s32 s0, $0x0;
	s0 =	rddreg [dreg:$0x3]  }
0x1b5: {  	s0 =	sadd.s32 @!p0 $0x100000, s0  }
0x1b6: {  	[sflag:s0] =	ssyncadd.tile.s32 @!p0 $0x1;
	_ =	shalt  }
.Lfunc_end2:
_tile_overlayer_lowered:
.L_overlay_start_2:
0x1b7: {  	(tag) =	ssettag $0x2  }
0x1b8: {  	s0 =	rddreg [dreg:$0x0];
	s2 =	stileid.u32  }
0x1b9: {  	s1 =	rddreg [dreg:$0x1];
	p0 =	sne.s32 s2, $0x0  }
0x1ba: {  	s3 =	rddreg [dreg:$0x2];
	[bflag:$0x3] =	sbarrier.arrive $0xFFFF;
	s2 =	simm.s32 @!p0 $0x1C03  }
0x1bb: {  	[timem:s3], [sflag:s2] =	dma.local @!p0 [hbm:s0], s1  }
0x1bc: {  	s0 =	simm.s32 @!p0 $0x3  }
0x1bd: {  	_ =	swait.ge @!p0 [sflag:s0], s1  }
0x1be: {  	s1 =	ssub.s32 @!p0 $0x0, s1;
	[sflag:s0] =	ssyncset.done @!p0 $0x0  }
0x1bf: {  	[sflag:s0] =	ssyncadd.s32 @!p0 s1  }
0x1c0: {  	[bflag:$0x3] =	sbarrier.arrive $0xFFFF  }
0x1c1: {  	_ =	shalt  }

</sc_bundles>
